<compile_context>
chip_gen: v7x
topology: tpu7x:2x2x1
jax: 0.10.2.dev20260603
libtpu: 0.0.44.dev20260713+nightly
codegen_flags: <defaults>
</compile_context>

<pallas_src>
import functools

import jax
import jax.numpy as jnp
from jax import lax
from jax.experimental import pallas as pl
from jax.experimental.pallas import tpu as pltpu
from jax.experimental.pallas import tpu_sc as plsc

_INFO = plsc.get_sparse_core_info()
_NC = _INFO.num_cores
_NS = _INFO.num_subcores
_NW = _NC * _NS
_L = _INFO.num_lanes


@functools.partial(jax.jit, static_argnames=("bw", "d"))
def _sc_gather_t(xt, wp, *, bw, d):
    h, b = xt.shape
    v, dp = wp.shape
    dblk = d // _L
    mesh = plsc.VectorSubcoreMesh(core_axis_name="c", subcore_axis_name="s")

    @functools.partial(
        pl.kernel,
        mesh=mesh,
        out_type=jax.ShapeDtypeStruct((h, d, b), jnp.float32),
        scratch_types=[
            pltpu.VMEM((h, bw), jnp.int32),
            pltpu.VMEM((bw, dp), jnp.float32),
            pltpu.VMEM((bw, dp), jnp.float32),
            pltpu.VMEM(((bw // _L) * dblk * 272,), jnp.float32),
            pltpu.VMEM((d, bw), jnp.float32),
            pltpu.VMEM((d, bw), jnp.float32),
            pltpu.SemaphoreType.DMA,
            pltpu.SemaphoreType.DMA,
        ],
        compiler_params=pltpu.CompilerParams(
            use_tc_tiling_on_sc=True,
            needs_layout_passes=False,
            disable_bounds_checks=True,
        ),
    )
    def k(
        xt_hbm, table_hbm, out_hbm,
        idx_v, rows0, rows1, rtb, rt0, rt1, s0, s1,
    ):
        rows_b = (rows0, rows1)
        rt_b = (rt0, rt1)
        sems = (s0, s1)
        wid = lax.axis_index("s") * _NC + lax.axis_index("c")
        b0 = wid * bw

        pltpu.sync_copy(xt_hbm.at[:, pl.ds(b0, bw)], idx_v)

        def start(hh, s):
            pltpu.async_copy(
                table_hbm.at[idx_v.at[hh]], rows_b[s], sems[s]
            )

        def wait(s):
            pltpu.make_async_copy(
                table_hbm.at[idx_v.at[0]], rows_b[s], sems[s]
            ).wait()

        lane = lax.iota(jnp.int32, _L)
        lane17 = lane * 17

        def transpose(s):
            rows = rows_b[s]
            rt = rt_b[s]

            def stage1(bb):
                kb = bb // _L
                rr = lax.rem(bb, _L)
                base = kb * (dblk * 272) + rr * 17
                for kk in range(dblk):
                    val = rows[bb, pl.ds(kk * _L, _L)]
                    rtb[pl.ds(base + kk * 272, _L)] = val

            plsc.parallel_loop(0, bw, 1, unroll=8)(stage1)

            def stage2(j):
                kb = j // _L
                q = lax.rem(j, _L)
                for kk in range(dblk):
                    base = kb * (dblk * 272) + kk * 272 + q
                    val = plsc.load_gather(rtb, [lane17 + base])
                    rt[kk * _L + q, pl.ds(kb * _L, _L)] = val

            plsc.parallel_loop(0, bw, 1, unroll=8)(stage2)

        start(0, 0)
        start(1, 1)

        def body(i, _):
            h0 = i * 2
            for s in range(2):
                hh = h0 + s
                wait(s)
                transpose(s)

                @pl.when(hh + 2 < h)
                def _prefetch():
                    start(hh + 2, s)

                pltpu.sync_copy(
                    rt_b[s], out_hbm.at[hh, :, pl.ds(b0, bw)]
                )
            return _

        lax.fori_loop(0, h // 2, body, 0)

    return k(xt, wp)


def kernel(x, weight):
    b, h = x.shape
    v, d = weight.shape
    xt = x.T.astype(jnp.int32)
    dp = 128 * ((d + 127) // 128)
    wp = jnp.pad(weight, ((0, 0), (0, dp - d)))
    out_t = _sc_gather_t(xt, wp, bw=b // _NW, d=d)
    return out_t.transpose(2, 0, 1)

# --- scband reference (transcript-rebuilt; emitter-appended) ---
"""Pipeline reference for scband-sequence-embedding-15118284882691 (READ-ONLY COPY).

The authoritative reference and input builder live on the scoring server;
editing this copy changes nothing except your own understanding.
"""

import jax, jax.numpy as jnp
import numpy as np

VOCAB = 100000
DIM = 64
BATCH = 4096
HIST = 50

def setup_inputs(seed: int = 0) -> dict:
    key = jax.random.key(seed)
    k1, k2 = jax.random.split(key)
    x = jax.random.randint(k1, (BATCH, HIST), 0, VOCAB, dtype=jnp.int64 if jax.config.read('jax_enable_x64') else jnp.int32)
    weight = jax.random.normal(k2, (VOCAB, DIM), dtype=jnp.float32) * 0.02
    return {"x": x, "weight": weight}

def reference(x, weight):
    # tf.gather(self.weight, indices=x) == weight[x]
    return jnp.take(weight, x, axis=0)

if __name__ == "__main__":
    import jax
    _d = setup_inputs()
    print(jax.jit(kernel)(*tuple(_d.values())))

</pallas_src>

<mosaic_0001>
#map = affine_map<(d0, d1) -> (0, 0)>
#map1 = affine_map<(d0, d1) -> (0, 0, 0)>
module attributes {stable_mosaic.version = 14 : i64} {
  func.func @k(%arg0: i32, %arg1: i32, %arg2: memref<50x4096xi32, #tpu.memory_space<hbm>>, %arg3: memref<100000x128xf32, #tpu.memory_space<hbm>>, %arg4: memref<50x64x4096xf32, #tpu.memory_space<hbm>>, %arg5: memref<50x128xi32, #tpu.memory_space<vmem>>, %arg6: memref<128x128xf32, #tpu.memory_space<vmem>>, %arg7: memref<128x128xf32, #tpu.memory_space<vmem>>, %arg8: memref<8704xf32, #tpu.memory_space<vmem>>, %arg9: memref<64x128xf32, #tpu.memory_space<vmem>>, %arg10: memref<64x128xf32, #tpu.memory_space<vmem>>, %arg11: memref<!tpu.dma_semaphore, #tpu.memory_space<semaphore_mem>>, %arg12: memref<!tpu.dma_semaphore, #tpu.memory_space<semaphore_mem>>) attributes {dimension_semantics = [#tpu.dimension_semantics<core_parallel>, #tpu.dimension_semantics<subcore_parallel>], iteration_bounds = array<i64: 2, 16>, scalar_prefetch = 0 : i64, scratch_operands = 8 : i64, tpu.core_type = #tpu.core_type<sc_vector_subcore>, window_params = [{transform_indices = #map}, {transform_indices = #map}, {transform_indices = #map1}]} {
    %mul3A = arith.constant 2 : i32
    %mul3A_0 = arith.muli %arg1, %mul3A : i32
    %add3A = arith.addi %mul3A_0, %arg0 : i32
    %mul3A_1 = arith.constant 128 : i32
    %mul3A_2 = arith.muli %add3A, %mul3A_1 : i32
    "tpu.region"() ({
      %run_scoped3A = tpu.sem_alloc : memref<!tpu.dma_semaphore, #tpu.memory_space<semaphore_mem>>
      %dma_start3A_24 = arith.constant 0 : i32
      %dma_start3A_25 = tpu.memref_slice %arg2[%dma_start3A_24, %mul3A_2] : memref<50x4096xi32, #tpu.memory_space<hbm>> -> memref<50x128xi32, #tpu.memory_space<hbm>>
      %dma_start3A_26 = arith.constant 0 : i32
      %dma_start3A_27 = tpu.memref_slice %arg2[%dma_start3A_26, %mul3A_2] : memref<50x4096xi32, #tpu.memory_space<hbm>> -> memref<50x128xi32, #tpu.memory_space<hbm>>
      tpu.enqueue_dma source(%dma_start3A_27 : memref<50x128xi32, #tpu.memory_space<hbm>>) target(%arg5 : memref<50x128xi32, #tpu.memory_space<vmem>>) target_semaphore(%run_scoped3A : memref<!tpu.dma_semaphore, #tpu.memory_space<semaphore_mem>>)
      %dma_wait3A = arith.constant 0 : i32
      %dma_wait3A_28 = tpu.memref_slice %arg2[%dma_wait3A, %mul3A_2] : memref<50x4096xi32, #tpu.memory_space<hbm>> -> memref<50x128xi32, #tpu.memory_space<hbm>>
      %dma_wait3A_29 = arith.constant 0 : i32
      %dma_wait3A_30 = tpu.memref_slice %arg2[%dma_wait3A_29, %mul3A_2] : memref<50x4096xi32, #tpu.memory_space<hbm>> -> memref<50x128xi32, #tpu.memory_space<hbm>>
      tpu.wait_dma2 semaphore(%run_scoped3A : memref<!tpu.dma_semaphore, #tpu.memory_space<semaphore_mem>>) src(%dma_wait3A_30 : memref<50x128xi32, #tpu.memory_space<hbm>>) dst(%arg5 : memref<50x128xi32, #tpu.memory_space<vmem>>)
      tpu.yield
    }) : () -> ()
    %iota3A = tpu.iota {dimensions = array<i32: 0>} : vector<16xi32>
    %mul3A_3 = arith.constant 17 : i32
    %mul3A_4 = vector.broadcast %mul3A_3 : i32 to vector<16xi32>
    %mul3A_5 = arith.muli %iota3A, %mul3A_4 : vector<16xi32>
    %dma_start3A = arith.constant 0 : i32
    %dma_start3A_6 = arith.constant 0 : i32
    %dma_start3A_7 = tpu.memref_slice %arg5[%dma_start3A, %dma_start3A_6] : memref<50x128xi32, #tpu.memory_space<vmem>> -> memref<1x128xi32, #tpu.memory_space<vmem>>
    %dma_start3A_8 = tpu.memref_squeeze %dma_start3A_7 : memref<1x128xi32, #tpu.memory_space<vmem>> -> memref<128xi32, #tpu.memory_space<vmem>>
    %dma_start3A_9 = arith.constant 0 : i32
    %dma_start3A_10 = arith.constant 0 : i32
    %dma_start3A_11 = tpu.memref_slice %arg3[%dma_start3A_9, %dma_start3A_10] : memref<100000x128xf32, #tpu.memory_space<hbm>> -> memref<100000x128xf32, #tpu.memory_space<hbm>>
    tpu.enqueue_indirect_dma source(%dma_start3A_11 : memref<100000x128xf32, #tpu.memory_space<hbm>>) target(%arg6 : memref<128x128xf32, #tpu.memory_space<vmem>>) offsets(%dma_start3A_8 : memref<128xi32, #tpu.memory_space<vmem>>) semaphore(%arg11 : memref<!tpu.dma_semaphore, #tpu.memory_space<semaphore_mem>>)
    %dma_start3A_12 = arith.constant 1 : i32
    %dma_start3A_13 = arith.constant 0 : i32
    %dma_start3A_14 = tpu.memref_slice %arg5[%dma_start3A_12, %dma_start3A_13] : memref<50x128xi32, #tpu.memory_space<vmem>> -> memref<1x128xi32, #tpu.memory_space<vmem>>
    %dma_start3A_15 = tpu.memref_squeeze %dma_start3A_14 : memref<1x128xi32, #tpu.memory_space<vmem>> -> memref<128xi32, #tpu.memory_space<vmem>>
    %dma_start3A_16 = arith.constant 0 : i32
    %dma_start3A_17 = arith.constant 0 : i32
    %dma_start3A_18 = tpu.memref_slice %arg3[%dma_start3A_16, %dma_start3A_17] : memref<100000x128xf32, #tpu.memory_space<hbm>> -> memref<100000x128xf32, #tpu.memory_space<hbm>>
    tpu.enqueue_indirect_dma source(%dma_start3A_18 : memref<100000x128xf32, #tpu.memory_space<hbm>>) target(%arg7 : memref<128x128xf32, #tpu.memory_space<vmem>>) offsets(%dma_start3A_15 : memref<128xi32, #tpu.memory_space<vmem>>) semaphore(%arg12 : memref<!tpu.dma_semaphore, #tpu.memory_space<semaphore_mem>>)
    %scan3A = arith.constant 0 : i32
    %scan3A_19 = arith.constant 0 : i32
    %scan3A_20 = arith.constant 25 : i32
    %scan3A_21 = arith.addi %scan3A_19, %scan3A_20 : i32
    %scan3A_22 = arith.constant 1 : i32
    scf.for %scan3A_24 = %scan3A_19 to %scan3A_21 step %scan3A_22  : i32 {
      %mul3A_25 = arith.constant 2 : i32
      %mul3A_26 = arith.muli %scan3A_24, %mul3A_25 : i32
      %add3A_27 = arith.constant 0 : i32
      %add3A_28 = arith.addi %mul3A_26, %add3A_27 : i32
      %dma_wait3A = arith.constant 0 : i32
      %dma_wait3A_29 = arith.constant 0 : i32
      %dma_wait3A_30 = tpu.memref_slice %arg5[%dma_wait3A, %dma_wait3A_29] : memref<50x128xi32, #tpu.memory_space<vmem>> -> memref<1x128xi32, #tpu.memory_space<vmem>>
      %dma_wait3A_31 = tpu.memref_squeeze %dma_wait3A_30 : memref<1x128xi32, #tpu.memory_space<vmem>> -> memref<128xi32, #tpu.memory_space<vmem>>
      %dma_wait3A_32 = arith.constant 0 : i32
      %dma_wait3A_33 = arith.constant 0 : i32
      %dma_wait3A_34 = tpu.memref_slice %arg3[%dma_wait3A_32, %dma_wait3A_33] : memref<100000x128xf32, #tpu.memory_space<hbm>> -> memref<100000x128xf32, #tpu.memory_space<hbm>>
      tpu.wait_indirect_dma semaphore(%arg11 : memref<!tpu.dma_semaphore, #tpu.memory_space<semaphore_mem>>) src(%dma_wait3A_34 : memref<100000x128xf32, #tpu.memory_space<hbm>>) dst(%arg6 : memref<128x128xf32, #tpu.memory_space<vmem>>)
      %parallel_loop3A = arith.constant 0 : i32
      %parallel_loop3A_35 = arith.constant 128 : i32
      %parallel_loop3A_36 = arith.constant 1 : i32
      scf.for %parallel_loop3A_66 = %parallel_loop3A to %parallel_loop3A_35 step %parallel_loop3A_36  : i32 {
        %parallel_loop3A_67 = arith.constant 16 : i32
        %parallel_loop3A_68 = arith.divsi %parallel_loop3A_66, %parallel_loop3A_67 : i32
        %parallel_loop3A_69 = arith.constant 0 : i32
        %parallel_loop3A_70 = arith.cmpi sgt, %parallel_loop3A_66, %parallel_loop3A_69 : i32
        %parallel_loop3A_71 = arith.extui %parallel_loop3A_70 : i1 to i32
        %parallel_loop3A_72 = arith.constant 0 : i32
        %parallel_loop3A_73 = arith.cmpi slt, %parallel_loop3A_66, %parallel_loop3A_72 : i32
        %parallel_loop3A_74 = arith.extui %parallel_loop3A_73 : i1 to i32
        %parallel_loop3A_75 = arith.subi %parallel_loop3A_71, %parallel_loop3A_74 : i32
        %parallel_loop3A_76 = arith.constant 0 : i32
        %parallel_loop3A_77 = arith.cmpi sgt, %parallel_loop3A_67, %parallel_loop3A_76 : i32
        %parallel_loop3A_78 = arith.extui %parallel_loop3A_77 : i1 to i32
        %parallel_loop3A_79 = arith.constant 0 : i32
        %parallel_loop3A_80 = arith.cmpi slt, %parallel_loop3A_67, %parallel_loop3A_79 : i32
        %parallel_loop3A_81 = arith.extui %parallel_loop3A_80 : i1 to i32
        %parallel_loop3A_82 = arith.subi %parallel_loop3A_78, %parallel_loop3A_81 : i32
        %parallel_loop3A_83 = arith.cmpi ne, %parallel_loop3A_75, %parallel_loop3A_82 : i32
        %parallel_loop3A_84 = arith.remsi %parallel_loop3A_66, %parallel_loop3A_67 : i32
        %parallel_loop3A_85 = arith.constant 0 : i32
        %parallel_loop3A_86 = arith.cmpi ne, %parallel_loop3A_84, %parallel_loop3A_85 : i32
        %parallel_loop3A_87 = arith.andi %parallel_loop3A_83, %parallel_loop3A_86 : i1
        %parallel_loop3A_88 = arith.constant 1 : i32
        %parallel_loop3A_89 = arith.subi %parallel_loop3A_68, %parallel_loop3A_88 : i32
        %parallel_loop3A_90 = arith.select %parallel_loop3A_87, %parallel_loop3A_89, %parallel_loop3A_68 : i32
        %parallel_loop3A_91 = arith.constant 16 : i32
        %parallel_loop3A_92 = arith.remsi %parallel_loop3A_66, %parallel_loop3A_91 : i32
        %parallel_loop3A_93 = arith.constant 1088 : i32
        %parallel_loop3A_94 = arith.muli %parallel_loop3A_90, %parallel_loop3A_93 : i32
        %parallel_loop3A_95 = arith.constant 17 : i32
        %parallel_loop3A_96 = arith.muli %parallel_loop3A_92, %parallel_loop3A_95 : i32
        %parallel_loop3A_97 = arith.addi %parallel_loop3A_94, %parallel_loop3A_96 : i32
        %parallel_loop3A_98 = arith.index_cast %parallel_loop3A_66 : i32 to index
        %parallel_loop3A_99 = arith.constant 0 : index
        %parallel_loop3A_100 = tpu.vector_load %arg6[%parallel_loop3A_98, %parallel_loop3A_99] {strides = array<i32>} : memref<128x128xf32, #tpu.memory_space<vmem>>, vector<16xf32>,
        %parallel_loop3A_101 = arith.constant 0 : i32
        %parallel_loop3A_102 = arith.addi %parallel_loop3A_97, %parallel_loop3A_101 : i32
        %parallel_loop3A_103 = arith.index_cast %parallel_loop3A_102 : i32 to index
        %parallel_loop3A_104 = tpu.vector_load %arg8[%parallel_loop3A_103] {strides = array<i32>} : memref<8704xf32, #tpu.memory_space<vmem>>, vector<16xf32>,
        tpu.vector_store %arg8[%parallel_loop3A_103], %parallel_loop3A_100 {strides = array<i32>} : memref<8704xf32, #tpu.memory_space<vmem>>, vector<16xf32>,
        %parallel_loop3A_105 = arith.index_cast %parallel_loop3A_66 : i32 to index
        %parallel_loop3A_106 = arith.constant 16 : index
        %parallel_loop3A_107 = tpu.vector_load %arg6[%parallel_loop3A_105, %parallel_loop3A_106] {strides = array<i32>} : memref<128x128xf32, #tpu.memory_space<vmem>>, vector<16xf32>,
        %parallel_loop3A_108 = arith.constant 272 : i32
        %parallel_loop3A_109 = arith.addi %parallel_loop3A_97, %parallel_loop3A_108 : i32
        %parallel_loop3A_110 = arith.index_cast %parallel_loop3A_109 : i32 to index
        %parallel_loop3A_111 = tpu.vector_load %arg8[%parallel_loop3A_110] {strides = array<i32>} : memref<8704xf32, #tpu.memory_space<vmem>>, vector<16xf32>,
        tpu.vector_store %arg8[%parallel_loop3A_110], %parallel_loop3A_107 {strides = array<i32>} : memref<8704xf32, #tpu.memory_space<vmem>>, vector<16xf32>,
        %parallel_loop3A_112 = arith.index_cast %parallel_loop3A_66 : i32 to index
        %parallel_loop3A_113 = arith.constant 32 : index
        %parallel_loop3A_114 = tpu.vector_load %arg6[%parallel_loop3A_112, %parallel_loop3A_113] {strides = array<i32>} : memref<128x128xf32, #tpu.memory_space<vmem>>, vector<16xf32>,
        %parallel_loop3A_115 = arith.constant 544 : i32
        %parallel_loop3A_116 = arith.addi %parallel_loop3A_97, %parallel_loop3A_115 : i32
        %parallel_loop3A_117 = arith.index_cast %parallel_loop3A_116 : i32 to index
        %parallel_loop3A_118 = tpu.vector_load %arg8[%parallel_loop3A_117] {strides = array<i32>} : memref<8704xf32, #tpu.memory_space<vmem>>, vector<16xf32>,
        tpu.vector_store %arg8[%parallel_loop3A_117], %parallel_loop3A_114 {strides = array<i32>} : memref<8704xf32, #tpu.memory_space<vmem>>, vector<16xf32>,
        %parallel_loop3A_119 = arith.index_cast %parallel_loop3A_66 : i32 to index
        %parallel_loop3A_120 = arith.constant 48 : index
        %parallel_loop3A_121 = tpu.vector_load %arg6[%parallel_loop3A_119, %parallel_loop3A_120] {strides = array<i32>} : memref<128x128xf32, #tpu.memory_space<vmem>>, vector<16xf32>,
        %parallel_loop3A_122 = arith.constant 816 : i32
        %parallel_loop3A_123 = arith.addi %parallel_loop3A_97, %parallel_loop3A_122 : i32
        %parallel_loop3A_124 = arith.index_cast %parallel_loop3A_123 : i32 to index
        %parallel_loop3A_125 = tpu.vector_load %arg8[%parallel_loop3A_124] {strides = array<i32>} : memref<8704xf32, #tpu.memory_space<vmem>>, vector<16xf32>,
        tpu.vector_store %arg8[%parallel_loop3A_124], %parallel_loop3A_121 {strides = array<i32>} : memref<8704xf32, #tpu.memory_space<vmem>>, vector<16xf32>,
      } {sc.loop_unroll_factor = 8 : i64, sc.parallel_access}
      %parallel_loop3A_37 = arith.constant 0 : i32
      %parallel_loop3A_38 = arith.constant 128 : i32
      %parallel_loop3A_39 = arith.constant 1 : i32
      scf.for %parallel_loop3A_66 = %parallel_loop3A_37 to %parallel_loop3A_38 step %parallel_loop3A_39  : i32 {
        %parallel_loop3A_67 = arith.constant 16 : i32
        %parallel_loop3A_68 = arith.divsi %parallel_loop3A_66, %parallel_loop3A_67 : i32
        %parallel_loop3A_69 = arith.constant 0 : i32
        %parallel_loop3A_70 = arith.cmpi sgt, %parallel_loop3A_66, %parallel_loop3A_69 : i32
        %parallel_loop3A_71 = arith.extui %parallel_loop3A_70 : i1 to i32
        %parallel_loop3A_72 = arith.constant 0 : i32
        %parallel_loop3A_73 = arith.cmpi slt, %parallel_loop3A_66, %parallel_loop3A_72 : i32
        %parallel_loop3A_74 = arith.extui %parallel_loop3A_73 : i1 to i32
        %parallel_loop3A_75 = arith.subi %parallel_loop3A_71, %parallel_loop3A_74 : i32
        %parallel_loop3A_76 = arith.constant 0 : i32
        %parallel_loop3A_77 = arith.cmpi sgt, %parallel_loop3A_67, %parallel_loop3A_76 : i32
        %parallel_loop3A_78 = arith.extui %parallel_loop3A_77 : i1 to i32
        %parallel_loop3A_79 = arith.constant 0 : i32
        %parallel_loop3A_80 = arith.cmpi slt, %parallel_loop3A_67, %parallel_loop3A_79 : i32
        %parallel_loop3A_81 = arith.extui %parallel_loop3A_80 : i1 to i32
        %parallel_loop3A_82 = arith.subi %parallel_loop3A_78, %parallel_loop3A_81 : i32
        %parallel_loop3A_83 = arith.cmpi ne, %parallel_loop3A_75, %parallel_loop3A_82 : i32
        %parallel_loop3A_84 = arith.remsi %parallel_loop3A_66, %parallel_loop3A_67 : i32
        %parallel_loop3A_85 = arith.constant 0 : i32
        %parallel_loop3A_86 = arith.cmpi ne, %parallel_loop3A_84, %parallel_loop3A_85 : i32
        %parallel_loop3A_87 = arith.andi %parallel_loop3A_83, %parallel_loop3A_86 : i1
        %parallel_loop3A_88 = arith.constant 1 : i32
        %parallel_loop3A_89 = arith.subi %parallel_loop3A_68, %parallel_loop3A_88 : i32
        %parallel_loop3A_90 = arith.select %parallel_loop3A_87, %parallel_loop3A_89, %parallel_loop3A_68 : i32
        %parallel_loop3A_91 = arith.constant 16 : i32
        %parallel_loop3A_92 = arith.remsi %parallel_loop3A_66, %parallel_loop3A_91 : i32
        %parallel_loop3A_93 = arith.constant 1088 : i32
        %parallel_loop3A_94 = arith.muli %parallel_loop3A_90, %parallel_loop3A_93 : i32
        %parallel_loop3A_95 = arith.constant 0 : i32
        %parallel_loop3A_96 = arith.addi %parallel_loop3A_94, %parallel_loop3A_95 : i32
        %parallel_loop3A_97 = arith.addi %parallel_loop3A_96, %parallel_loop3A_92 : i32
        %parallel_loop3A_98 = vector.broadcast %parallel_loop3A_97 : i32 to vector<16xi32>
        %parallel_loop3A_99 = arith.addi %mul3A_5, %parallel_loop3A_98 : vector<16xi32>
        %parallel_loop3A_100 = tpu.vector_load_idx %arg8[%parallel_loop3A_99] : memref<8704xf32, #tpu.memory_space<vmem>>[vector<16xi32>], vector<16xf32>,
        %parallel_loop3A_101 = arith.constant 0 : i32
        %parallel_loop3A_102 = arith.addi %parallel_loop3A_101, %parallel_loop3A_92 : i32
        %parallel_loop3A_103 = arith.constant 16 : i32
        %parallel_loop3A_104 = arith.muli %parallel_loop3A_90, %parallel_loop3A_103 : i32
        %parallel_loop3A_105 = arith.index_cast %parallel_loop3A_102 : i32 to index
        %parallel_loop3A_106 = arith.index_cast %parallel_loop3A_104 : i32 to index
        %parallel_loop3A_107 = tpu.vector_load %arg9[%parallel_loop3A_105, %parallel_loop3A_106] {strides = array<i32>} : memref<64x128xf32, #tpu.memory_space<vmem>>, vector<16xf32>,
        tpu.vector_store %arg9[%parallel_loop3A_105, %parallel_loop3A_106], %parallel_loop3A_100 {strides = array<i32>} : memref<64x128xf32, #tpu.memory_space<vmem>>, vector<16xf32>,
        %parallel_loop3A_108 = arith.constant 1088 : i32
        %parallel_loop3A_109 = arith.muli %parallel_loop3A_90, %parallel_loop3A_108 : i32
        %parallel_loop3A_110 = arith.constant 272 : i32
        %parallel_loop3A_111 = arith.addi %parallel_loop3A_109, %parallel_loop3A_110 : i32
        %parallel_loop3A_112 = arith.addi %parallel_loop3A_111, %parallel_loop3A_92 : i32
        %parallel_loop3A_113 = vector.broadcast %parallel_loop3A_112 : i32 to vector<16xi32>
        %parallel_loop3A_114 = arith.addi %mul3A_5, %parallel_loop3A_113 : vector<16xi32>
        %parallel_loop3A_115 = tpu.vector_load_idx %arg8[%parallel_loop3A_114] : memref<8704xf32, #tpu.memory_space<vmem>>[vector<16xi32>], vector<16xf32>,
        %parallel_loop3A_116 = arith.constant 16 : i32
        %parallel_loop3A_117 = arith.addi %parallel_loop3A_116, %parallel_loop3A_92 : i32
        %parallel_loop3A_118 = arith.constant 16 : i32
        %parallel_loop3A_119 = arith.muli %parallel_loop3A_90, %parallel_loop3A_118 : i32
        %parallel_loop3A_120 = arith.index_cast %parallel_loop3A_117 : i32 to index
        %parallel_loop3A_121 = arith.index_cast %parallel_loop3A_119 : i32 to index
        %parallel_loop3A_122 = tpu.vector_load %arg9[%parallel_loop3A_120, %parallel_loop3A_121] {strides = array<i32>} : memref<64x128xf32, #tpu.memory_space<vmem>>, vector<16xf32>,
        tpu.vector_store %arg9[%parallel_loop3A_120, %parallel_loop3A_121], %parallel_loop3A_115 {strides = array<i32>} : memref<64x128xf32, #tpu.memory_space<vmem>>, vector<16xf32>,
        %parallel_loop3A_123 = arith.constant 1088 : i32
        %parallel_loop3A_124 = arith.muli %parallel_loop3A_90, %parallel_loop3A_123 : i32
        %parallel_loop3A_125 = arith.constant 544 : i32
        %parallel_loop3A_126 = arith.addi %parallel_loop3A_124, %parallel_loop3A_125 : i32
        %parallel_loop3A_127 = arith.addi %parallel_loop3A_126, %parallel_loop3A_92 : i32
        %parallel_loop3A_128 = vector.broadcast %parallel_loop3A_127 : i32 to vector<16xi32>
        %parallel_loop3A_129 = arith.addi %mul3A_5, %parallel_loop3A_128 : vector<16xi32>
        %parallel_loop3A_130 = tpu.vector_load_idx %arg8[%parallel_loop3A_129] : memref<8704xf32, #tpu.memory_space<vmem>>[vector<16xi32>], vector<16xf32>,
        %parallel_loop3A_131 = arith.constant 32 : i32
        %parallel_loop3A_132 = arith.addi %parallel_loop3A_131, %parallel_loop3A_92 : i32
        %parallel_loop3A_133 = arith.constant 16 : i32
        %parallel_loop3A_134 = arith.muli %parallel_loop3A_90, %parallel_loop3A_133 : i32
        %parallel_loop3A_135 = arith.index_cast %parallel_loop3A_132 : i32 to index
        %parallel_loop3A_136 = arith.index_cast %parallel_loop3A_134 : i32 to index
        %parallel_loop3A_137 = tpu.vector_load %arg9[%parallel_loop3A_135, %parallel_loop3A_136] {strides = array<i32>} : memref<64x128xf32, #tpu.memory_space<vmem>>, vector<16xf32>,
        tpu.vector_store %arg9[%parallel_loop3A_135, %parallel_loop3A_136], %parallel_loop3A_130 {strides = array<i32>} : memref<64x128xf32, #tpu.memory_space<vmem>>, vector<16xf32>,
        %parallel_loop3A_138 = arith.constant 1088 : i32
        %parallel_loop3A_139 = arith.muli %parallel_loop3A_90, %parallel_loop3A_138 : i32
        %parallel_loop3A_140 = arith.constant 816 : i32
        %parallel_loop3A_141 = arith.addi %parallel_loop3A_139, %parallel_loop3A_140 : i32
        %parallel_loop3A_142 = arith.addi %parallel_loop3A_141, %parallel_loop3A_92 : i32
        %parallel_loop3A_143 = vector.broadcast %parallel_loop3A_142 : i32 to vector<16xi32>
        %parallel_loop3A_144 = arith.addi %mul3A_5, %parallel_loop3A_143 : vector<16xi32>
        %parallel_loop3A_145 = tpu.vector_load_idx %arg8[%parallel_loop3A_144] : memref<8704xf32, #tpu.memory_space<vmem>>[vector<16xi32>], vector<16xf32>,
        %parallel_loop3A_146 = arith.constant 48 : i32
        %parallel_loop3A_147 = arith.addi %parallel_loop3A_146, %parallel_loop3A_92 : i32
        %parallel_loop3A_148 = arith.constant 16 : i32
        %parallel_loop3A_149 = arith.muli %parallel_loop3A_90, %parallel_loop3A_148 : i32
        %parallel_loop3A_150 = arith.index_cast %parallel_loop3A_147 : i32 to index
        %parallel_loop3A_151 = arith.index_cast %parallel_loop3A_149 : i32 to index
        %parallel_loop3A_152 = tpu.vector_load %arg9[%parallel_loop3A_150, %parallel_loop3A_151] {strides = array<i32>} : memref<64x128xf32, #tpu.memory_space<vmem>>, vector<16xf32>,
        tpu.vector_store %arg9[%parallel_loop3A_150, %parallel_loop3A_151], %parallel_loop3A_145 {strides = array<i32>} : memref<64x128xf32, #tpu.memory_space<vmem>>, vector<16xf32>,
      } {sc.loop_unroll_factor = 8 : i64, sc.parallel_access}
      %add3A_40 = arith.constant 2 : i32
      %add3A_41 = arith.addi %add3A_28, %add3A_40 : i32
      %lt3A = arith.constant 50 : i32
      %lt3A_42 = arith.cmpi slt, %add3A_41, %lt3A : i32
      %convert_element_type3A = arith.extui %lt3A_42 : i1 to i32
      %cond3A = arith.constant 0 : i32
      %cond3A_43 = arith.cmpi ne, %convert_element_type3A, %cond3A : i32
      scf.if %cond3A_43 {
        %add3A_66 = arith.constant 2 : i32
        %add3A_67 = arith.addi %add3A_28, %add3A_66 : i32
        %dma_start3A_68 = arith.constant 0 : i32
        %dma_start3A_69 = tpu.memref_slice %arg5[%add3A_67, %dma_start3A_68] : memref<50x128xi32, #tpu.memory_space<vmem>> -> memref<1x128xi32, #tpu.memory_space<vmem>>
        %dma_start3A_70 = tpu.memref_squeeze %dma_start3A_69 : memref<1x128xi32, #tpu.memory_space<vmem>> -> memref<128xi32, #tpu.memory_space<vmem>>
        %dma_start3A_71 = arith.constant 0 : i32
        %dma_start3A_72 = arith.constant 0 : i32
        %dma_start3A_73 = tpu.memref_slice %arg3[%dma_start3A_71, %dma_start3A_72] : memref<100000x128xf32, #tpu.memory_space<hbm>> -> memref<100000x128xf32, #tpu.memory_space<hbm>>
        tpu.enqueue_indirect_dma source(%dma_start3A_73 : memref<100000x128xf32, #tpu.memory_space<hbm>>) target(%arg6 : memref<128x128xf32, #tpu.memory_space<vmem>>) offsets(%dma_start3A_70 : memref<128xi32, #tpu.memory_space<vmem>>) semaphore(%arg11 : memref<!tpu.dma_semaphore, #tpu.memory_space<semaphore_mem>>)
      } else {
      }
      "tpu.region"() ({
        %run_scoped3A = tpu.sem_alloc : memref<!tpu.dma_semaphore, #tpu.memory_space<semaphore_mem>>
        %dma_start3A_66 = arith.constant 0 : i32
        %dma_start3A_67 = tpu.memref_slice %arg4[%add3A_28, %dma_start3A_66, %mul3A_2] : memref<50x64x4096xf32, #tpu.memory_space<hbm>> -> memref<1x64x128xf32, #tpu.memory_space<hbm>>
        %dma_start3A_68 = tpu.memref_squeeze %dma_start3A_67 : memref<1x64x128xf32, #tpu.memory_space<hbm>> -> memref<64x128xf32, #tpu.memory_space<hbm>>
        %dma_start3A_69 = arith.constant 0 : i32
        %dma_start3A_70 = tpu.memref_slice %arg4[%add3A_28, %dma_start3A_69, %mul3A_2] : memref<50x64x4096xf32, #tpu.memory_space<hbm>> -> memref<1x64x128xf32, #tpu.memory_space<hbm>>
        %dma_start3A_71 = tpu.memref_squeeze %dma_start3A_70 : memref<1x64x128xf32, #tpu.memory_space<hbm>> -> memref<64x128xf32, #tpu.memory_space<hbm>>
        tpu.enqueue_dma source(%arg9 : memref<64x128xf32, #tpu.memory_space<vmem>>) target(%dma_start3A_71 : memref<64x128xf32, #tpu.memory_space<hbm>>) target_semaphore(%run_scoped3A : memref<!tpu.dma_semaphore, #tpu.memory_space<semaphore_mem>>)
        %dma_wait3A_72 = arith.constant 0 : i32
        %dma_wait3A_73 = tpu.memref_slice %arg4[%add3A_28, %dma_wait3A_72, %mul3A_2] : memref<50x64x4096xf32, #tpu.memory_space<hbm>> -> memref<1x64x128xf32, #tpu.memory_space<hbm>>
        %dma_wait3A_74 = tpu.memref_squeeze %dma_wait3A_73 : memref<1x64x128xf32, #tpu.memory_space<hbm>> -> memref<64x128xf32, #tpu.memory_space<hbm>>
        %dma_wait3A_75 = arith.constant 0 : i32
        %dma_wait3A_76 = tpu.memref_slice %arg4[%add3A_28, %dma_wait3A_75, %mul3A_2] : memref<50x64x4096xf32, #tpu.memory_space<hbm>> -> memref<1x64x128xf32, #tpu.memory_space<hbm>>
        %dma_wait3A_77 = tpu.memref_squeeze %dma_wait3A_76 : memref<1x64x128xf32, #tpu.memory_space<hbm>> -> memref<64x128xf32, #tpu.memory_space<hbm>>
        tpu.wait_dma2 semaphore(%run_scoped3A : memref<!tpu.dma_semaphore, #tpu.memory_space<semaphore_mem>>) src(%arg9 : memref<64x128xf32, #tpu.memory_space<vmem>>) dst(%dma_wait3A_77 : memref<64x128xf32, #tpu.memory_space<hbm>>)
        tpu.yield
      }) : () -> ()
      %add3A_44 = arith.constant 1 : i32
      %add3A_45 = arith.addi %mul3A_26, %add3A_44 : i32
      %dma_wait3A_46 = arith.constant 0 : i32
      %dma_wait3A_47 = arith.constant 0 : i32
      %dma_wait3A_48 = tpu.memref_slice %arg5[%dma_wait3A_46, %dma_wait3A_47] : memref<50x128xi32, #tpu.memory_space<vmem>> -> memref<1x128xi32, #tpu.memory_space<vmem>>
      %dma_wait3A_49 = tpu.memref_squeeze %dma_wait3A_48 : memref<1x128xi32, #tpu.memory_space<vmem>> -> memref<128xi32, #tpu.memory_space<vmem>>
      %dma_wait3A_50 = arith.constant 0 : i32
      %dma_wait3A_51 = arith.constant 0 : i32
      %dma_wait3A_52 = tpu.memref_slice %arg3[%dma_wait3A_50, %dma_wait3A_51] : memref<100000x128xf32, #tpu.memory_space<hbm>> -> memref<100000x128xf32, #tpu.memory_space<hbm>>
      tpu.wait_indirect_dma semaphore(%arg12 : memref<!tpu.dma_semaphore, #tpu.memory_space<semaphore_mem>>) src(%dma_wait3A_52 : memref<100000x128xf32, #tpu.memory_space<hbm>>) dst(%arg7 : memref<128x128xf32, #tpu.memory_space<vmem>>)
      %parallel_loop3A_53 = arith.constant 0 : i32
      %parallel_loop3A_54 = arith.constant 128 : i32
      %parallel_loop3A_55 = arith.constant 1 : i32
      scf.for %parallel_loop3A_66 = %parallel_loop3A_53 to %parallel_loop3A_54 step %parallel_loop3A_55  : i32 {
        %parallel_loop3A_67 = arith.constant 16 : i32
        %parallel_loop3A_68 = arith.divsi %parallel_loop3A_66, %parallel_loop3A_67 : i32
        %parallel_loop3A_69 = arith.constant 0 : i32
        %parallel_loop3A_70 = arith.cmpi sgt, %parallel_loop3A_66, %parallel_loop3A_69 : i32
        %parallel_loop3A_71 = arith.extui %parallel_loop3A_70 : i1 to i32
        %parallel_loop3A_72 = arith.constant 0 : i32
        %parallel_loop3A_73 = arith.cmpi slt, %parallel_loop3A_66, %parallel_loop3A_72 : i32
        %parallel_loop3A_74 = arith.extui %parallel_loop3A_73 : i1 to i32
        %parallel_loop3A_75 = arith.subi %parallel_loop3A_71, %parallel_loop3A_74 : i32
        %parallel_loop3A_76 = arith.constant 0 : i32
        %parallel_loop3A_77 = arith.cmpi sgt, %parallel_loop3A_67, %parallel_loop3A_76 : i32
        %parallel_loop3A_78 = arith.extui %parallel_loop3A_77 : i1 to i32
        %parallel_loop3A_79 = arith.constant 0 : i32
        %parallel_loop3A_80 = arith.cmpi slt, %parallel_loop3A_67, %parallel_loop3A_79 : i32
        %parallel_loop3A_81 = arith.extui %parallel_loop3A_80 : i1 to i32
        %parallel_loop3A_82 = arith.subi %parallel_loop3A_78, %parallel_loop3A_81 : i32
        %parallel_loop3A_83 = arith.cmpi ne, %parallel_loop3A_75, %parallel_loop3A_82 : i32
        %parallel_loop3A_84 = arith.remsi %parallel_loop3A_66, %parallel_loop3A_67 : i32
        %parallel_loop3A_85 = arith.constant 0 : i32
        %parallel_loop3A_86 = arith.cmpi ne, %parallel_loop3A_84, %parallel_loop3A_85 : i32
        %parallel_loop3A_87 = arith.andi %parallel_loop3A_83, %parallel_loop3A_86 : i1
        %parallel_loop3A_88 = arith.constant 1 : i32
        %parallel_loop3A_89 = arith.subi %parallel_loop3A_68, %parallel_loop3A_88 : i32
        %parallel_loop3A_90 = arith.select %parallel_loop3A_87, %parallel_loop3A_89, %parallel_loop3A_68 : i32
        %parallel_loop3A_91 = arith.constant 16 : i32
        %parallel_loop3A_92 = arith.remsi %parallel_loop3A_66, %parallel_loop3A_91 : i32
        %parallel_loop3A_93 = arith.constant 1088 : i32
        %parallel_loop3A_94 = arith.muli %parallel_loop3A_90, %parallel_loop3A_93 : i32
        %parallel_loop3A_95 = arith.constant 17 : i32
        %parallel_loop3A_96 = arith.muli %parallel_loop3A_92, %parallel_loop3A_95 : i32
        %parallel_loop3A_97 = arith.addi %parallel_loop3A_94, %parallel_loop3A_96 : i32
        %parallel_loop3A_98 = arith.index_cast %parallel_loop3A_66 : i32 to index
        %parallel_loop3A_99 = arith.constant 0 : index
        %parallel_loop3A_100 = tpu.vector_load %arg7[%parallel_loop3A_98, %parallel_loop3A_99] {strides = array<i32>} : memref<128x128xf32, #tpu.memory_space<vmem>>, vector<16xf32>,
        %parallel_loop3A_101 = arith.constant 0 : i32
        %parallel_loop3A_102 = arith.addi %parallel_loop3A_97, %parallel_loop3A_101 : i32
        %parallel_loop3A_103 = arith.index_cast %parallel_loop3A_102 : i32 to index
        %parallel_loop3A_104 = tpu.vector_load %arg8[%parallel_loop3A_103] {strides = array<i32>} : memref<8704xf32, #tpu.memory_space<vmem>>, vector<16xf32>,
        tpu.vector_store %arg8[%parallel_loop3A_103], %parallel_loop3A_100 {strides = array<i32>} : memref<8704xf32, #tpu.memory_space<vmem>>, vector<16xf32>,
        %parallel_loop3A_105 = arith.index_cast %parallel_loop3A_66 : i32 to index
        %parallel_loop3A_106 = arith.constant 16 : index
        %parallel_loop3A_107 = tpu.vector_load %arg7[%parallel_loop3A_105, %parallel_loop3A_106] {strides = array<i32>} : memref<128x128xf32, #tpu.memory_space<vmem>>, vector<16xf32>,
        %parallel_loop3A_108 = arith.constant 272 : i32
        %parallel_loop3A_109 = arith.addi %parallel_loop3A_97, %parallel_loop3A_108 : i32
        %parallel_loop3A_110 = arith.index_cast %parallel_loop3A_109 : i32 to index
        %parallel_loop3A_111 = tpu.vector_load %arg8[%parallel_loop3A_110] {strides = array<i32>} : memref<8704xf32, #tpu.memory_space<vmem>>, vector<16xf32>,
        tpu.vector_store %arg8[%parallel_loop3A_110], %parallel_loop3A_107 {strides = array<i32>} : memref<8704xf32, #tpu.memory_space<vmem>>, vector<16xf32>,
        %parallel_loop3A_112 = arith.index_cast %parallel_loop3A_66 : i32 to index
        %parallel_loop3A_113 = arith.constant 32 : index
        %parallel_loop3A_114 = tpu.vector_load %arg7[%parallel_loop3A_112, %parallel_loop3A_113] {strides = array<i32>} : memref<128x128xf32, #tpu.memory_space<vmem>>, vector<16xf32>,
        %parallel_loop3A_115 = arith.constant 544 : i32
        %parallel_loop3A_116 = arith.addi %parallel_loop3A_97, %parallel_loop3A_115 : i32
        %parallel_loop3A_117 = arith.index_cast %parallel_loop3A_116 : i32 to index
        %parallel_loop3A_118 = tpu.vector_load %arg8[%parallel_loop3A_117] {strides = array<i32>} : memref<8704xf32, #tpu.memory_space<vmem>>, vector<16xf32>,
        tpu.vector_store %arg8[%parallel_loop3A_117], %parallel_loop3A_114 {strides = array<i32>} : memref<8704xf32, #tpu.memory_space<vmem>>, vector<16xf32>,
        %parallel_loop3A_119 = arith.index_cast %parallel_loop3A_66 : i32 to index
        %parallel_loop3A_120 = arith.constant 48 : index
        %parallel_loop3A_121 = tpu.vector_load %arg7[%parallel_loop3A_119, %parallel_loop3A_120] {strides = array<i32>} : memref<128x128xf32, #tpu.memory_space<vmem>>, vector<16xf32>,
        %parallel_loop3A_122 = arith.constant 816 : i32
        %parallel_loop3A_123 = arith.addi %parallel_loop3A_97, %parallel_loop3A_122 : i32
        %parallel_loop3A_124 = arith.index_cast %parallel_loop3A_123 : i32 to index
        %parallel_loop3A_125 = tpu.vector_load %arg8[%parallel_loop3A_124] {strides = array<i32>} : memref<8704xf32, #tpu.memory_space<vmem>>, vector<16xf32>,
        tpu.vector_store %arg8[%parallel_loop3A_124], %parallel_loop3A_121 {strides = array<i32>} : memref<8704xf32, #tpu.memory_space<vmem>>, vector<16xf32>,
      } {sc.loop_unroll_factor = 8 : i64, sc.parallel_access}
      %parallel_loop3A_56 = arith.constant 0 : i32
      %parallel_loop3A_57 = arith.constant 128 : i32
      %parallel_loop3A_58 = arith.constant 1 : i32
      scf.for %parallel_loop3A_66 = %parallel_loop3A_56 to %parallel_loop3A_57 step %parallel_loop3A_58  : i32 {
        %parallel_loop3A_67 = arith.constant 16 : i32
        %parallel_loop3A_68 = arith.divsi %parallel_loop3A_66, %parallel_loop3A_67 : i32
        %parallel_loop3A_69 = arith.constant 0 : i32
        %parallel_loop3A_70 = arith.cmpi sgt, %parallel_loop3A_66, %parallel_loop3A_69 : i32
        %parallel_loop3A_71 = arith.extui %parallel_loop3A_70 : i1 to i32
        %parallel_loop3A_72 = arith.constant 0 : i32
        %parallel_loop3A_73 = arith.cmpi slt, %parallel_loop3A_66, %parallel_loop3A_72 : i32
        %parallel_loop3A_74 = arith.extui %parallel_loop3A_73 : i1 to i32
        %parallel_loop3A_75 = arith.subi %parallel_loop3A_71, %parallel_loop3A_74 : i32
        %parallel_loop3A_76 = arith.constant 0 : i32
        %parallel_loop3A_77 = arith.cmpi sgt, %parallel_loop3A_67, %parallel_loop3A_76 : i32
        %parallel_loop3A_78 = arith.extui %parallel_loop3A_77 : i1 to i32
        %parallel_loop3A_79 = arith.constant 0 : i32
        %parallel_loop3A_80 = arith.cmpi slt, %parallel_loop3A_67, %parallel_loop3A_79 : i32
        %parallel_loop3A_81 = arith.extui %parallel_loop3A_80 : i1 to i32
        %parallel_loop3A_82 = arith.subi %parallel_loop3A_78, %parallel_loop3A_81 : i32
        %parallel_loop3A_83 = arith.cmpi ne, %parallel_loop3A_75, %parallel_loop3A_82 : i32
        %parallel_loop3A_84 = arith.remsi %parallel_loop3A_66, %parallel_loop3A_67 : i32
        %parallel_loop3A_85 = arith.constant 0 : i32
        %parallel_loop3A_86 = arith.cmpi ne, %parallel_loop3A_84, %parallel_loop3A_85 : i32
        %parallel_loop3A_87 = arith.andi %parallel_loop3A_83, %parallel_loop3A_86 : i1
        %parallel_loop3A_88 = arith.constant 1 : i32
        %parallel_loop3A_89 = arith.subi %parallel_loop3A_68, %parallel_loop3A_88 : i32
        %parallel_loop3A_90 = arith.select %parallel_loop3A_87, %parallel_loop3A_89, %parallel_loop3A_68 : i32
        %parallel_loop3A_91 = arith.constant 16 : i32
        %parallel_loop3A_92 = arith.remsi %parallel_loop3A_66, %parallel_loop3A_91 : i32
        %parallel_loop3A_93 = arith.constant 1088 : i32
        %parallel_loop3A_94 = arith.muli %parallel_loop3A_90, %parallel_loop3A_93 : i32
        %parallel_loop3A_95 = arith.constant 0 : i32
        %parallel_loop3A_96 = arith.addi %parallel_loop3A_94, %parallel_loop3A_95 : i32
        %parallel_loop3A_97 = arith.addi %parallel_loop3A_96, %parallel_loop3A_92 : i32
        %parallel_loop3A_98 = vector.broadcast %parallel_loop3A_97 : i32 to vector<16xi32>
        %parallel_loop3A_99 = arith.addi %mul3A_5, %parallel_loop3A_98 : vector<16xi32>
        %parallel_loop3A_100 = tpu.vector_load_idx %arg8[%parallel_loop3A_99] : memref<8704xf32, #tpu.memory_space<vmem>>[vector<16xi32>], vector<16xf32>,
        %parallel_loop3A_101 = arith.constant 0 : i32
        %parallel_loop3A_102 = arith.addi %parallel_loop3A_101, %parallel_loop3A_92 : i32
        %parallel_loop3A_103 = arith.constant 16 : i32
        %parallel_loop3A_104 = arith.muli %parallel_loop3A_90, %parallel_loop3A_103 : i32
        %parallel_loop3A_105 = arith.index_cast %parallel_loop3A_102 : i32 to index
        %parallel_loop3A_106 = arith.index_cast %parallel_loop3A_104 : i32 to index
        %parallel_loop3A_107 = tpu.vector_load %arg10[%parallel_loop3A_105, %parallel_loop3A_106] {strides = array<i32>} : memref<64x128xf32, #tpu.memory_space<vmem>>, vector<16xf32>,
        tpu.vector_store %arg10[%parallel_loop3A_105, %parallel_loop3A_106], %parallel_loop3A_100 {strides = array<i32>} : memref<64x128xf32, #tpu.memory_space<vmem>>, vector<16xf32>,
        %parallel_loop3A_108 = arith.constant 1088 : i32
        %parallel_loop3A_109 = arith.muli %parallel_loop3A_90, %parallel_loop3A_108 : i32
        %parallel_loop3A_110 = arith.constant 272 : i32
        %parallel_loop3A_111 = arith.addi %parallel_loop3A_109, %parallel_loop3A_110 : i32
        %parallel_loop3A_112 = arith.addi %parallel_loop3A_111, %parallel_loop3A_92 : i32
        %parallel_loop3A_113 = vector.broadcast %parallel_loop3A_112 : i32 to vector<16xi32>
        %parallel_loop3A_114 = arith.addi %mul3A_5, %parallel_loop3A_113 : vector<16xi32>
        %parallel_loop3A_115 = tpu.vector_load_idx %arg8[%parallel_loop3A_114] : memref<8704xf32, #tpu.memory_space<vmem>>[vector<16xi32>], vector<16xf32>,
        %parallel_loop3A_116 = arith.constant 16 : i32
        %parallel_loop3A_117 = arith.addi %parallel_loop3A_116, %parallel_loop3A_92 : i32
        %parallel_loop3A_118 = arith.constant 16 : i32
        %parallel_loop3A_119 = arith.muli %parallel_loop3A_90, %parallel_loop3A_118 : i32
        %parallel_loop3A_120 = arith.index_cast %parallel_loop3A_117 : i32 to index
        %parallel_loop3A_121 = arith.index_cast %parallel_loop3A_119 : i32 to index
        %parallel_loop3A_122 = tpu.vector_load %arg10[%parallel_loop3A_120, %parallel_loop3A_121] {strides = array<i32>} : memref<64x128xf32, #tpu.memory_space<vmem>>, vector<16xf32>,
        tpu.vector_store %arg10[%parallel_loop3A_120, %parallel_loop3A_121], %parallel_loop3A_115 {strides = array<i32>} : memref<64x128xf32, #tpu.memory_space<vmem>>, vector<16xf32>,
        %parallel_loop3A_123 = arith.constant 1088 : i32
        %parallel_loop3A_124 = arith.muli %parallel_loop3A_90, %parallel_loop3A_123 : i32
        %parallel_loop3A_125 = arith.constant 544 : i32
        %parallel_loop3A_126 = arith.addi %parallel_loop3A_124, %parallel_loop3A_125 : i32
        %parallel_loop3A_127 = arith.addi %parallel_loop3A_126, %parallel_loop3A_92 : i32
        %parallel_loop3A_128 = vector.broadcast %parallel_loop3A_127 : i32 to vector<16xi32>
        %parallel_loop3A_129 = arith.addi %mul3A_5, %parallel_loop3A_128 : vector<16xi32>
        %parallel_loop3A_130 = tpu.vector_load_idx %arg8[%parallel_loop3A_129] : memref<8704xf32, #tpu.memory_space<vmem>>[vector<16xi32>], vector<16xf32>,
        %parallel_loop3A_131 = arith.constant 32 : i32
        %parallel_loop3A_132 = arith.addi %parallel_loop3A_131, %parallel_loop3A_92 : i32
        %parallel_loop3A_133 = arith.constant 16 : i32
        %parallel_loop3A_134 = arith.muli %parallel_loop3A_90, %parallel_loop3A_133 : i32
        %parallel_loop3A_135 = arith.index_cast %parallel_loop3A_132 : i32 to index
        %parallel_loop3A_136 = arith.index_cast %parallel_loop3A_134 : i32 to index
        %parallel_loop3A_137 = tpu.vector_load %arg10[%parallel_loop3A_135, %parallel_loop3A_136] {strides = array<i32>} : memref<64x128xf32, #tpu.memory_space<vmem>>, vector<16xf32>,
        tpu.vector_store %arg10[%parallel_loop3A_135, %parallel_loop3A_136], %parallel_loop3A_130 {strides = array<i32>} : memref<64x128xf32, #tpu.memory_space<vmem>>, vector<16xf32>,
        %parallel_loop3A_138 = arith.constant 1088 : i32
        %parallel_loop3A_139 = arith.muli %parallel_loop3A_90, %parallel_loop3A_138 : i32
        %parallel_loop3A_140 = arith.constant 816 : i32
        %parallel_loop3A_141 = arith.addi %parallel_loop3A_139, %parallel_loop3A_140 : i32
        %parallel_loop3A_142 = arith.addi %parallel_loop3A_141, %parallel_loop3A_92 : i32
        %parallel_loop3A_143 = vector.broadcast %parallel_loop3A_142 : i32 to vector<16xi32>
        %parallel_loop3A_144 = arith.addi %mul3A_5, %parallel_loop3A_143 : vector<16xi32>
        %parallel_loop3A_145 = tpu.vector_load_idx %arg8[%parallel_loop3A_144] : memref<8704xf32, #tpu.memory_space<vmem>>[vector<16xi32>], vector<16xf32>,
        %parallel_loop3A_146 = arith.constant 48 : i32
        %parallel_loop3A_147 = arith.addi %parallel_loop3A_146, %parallel_loop3A_92 : i32
        %parallel_loop3A_148 = arith.constant 16 : i32
        %parallel_loop3A_149 = arith.muli %parallel_loop3A_90, %parallel_loop3A_148 : i32
        %parallel_loop3A_150 = arith.index_cast %parallel_loop3A_147 : i32 to index
        %parallel_loop3A_151 = arith.index_cast %parallel_loop3A_149 : i32 to index
        %parallel_loop3A_152 = tpu.vector_load %arg10[%parallel_loop3A_150, %parallel_loop3A_151] {strides = array<i32>} : memref<64x128xf32, #tpu.memory_space<vmem>>, vector<16xf32>,
        tpu.vector_store %arg10[%parallel_loop3A_150, %parallel_loop3A_151], %parallel_loop3A_145 {strides = array<i32>} : memref<64x128xf32, #tpu.memory_space<vmem>>, vector<16xf32>,
      } {sc.loop_unroll_factor = 8 : i64, sc.parallel_access}
      %add3A_59 = arith.constant 2 : i32
      %add3A_60 = arith.addi %add3A_45, %add3A_59 : i32
      %lt3A_61 = arith.constant 50 : i32
      %lt3A_62 = arith.cmpi slt, %add3A_60, %lt3A_61 : i32
      %convert_element_type3A_63 = arith.extui %lt3A_62 : i1 to i32
      %cond3A_64 = arith.constant 0 : i32
      %cond3A_65 = arith.cmpi ne, %convert_element_type3A_63, %cond3A_64 : i32
      scf.if %cond3A_65 {
        %add3A_66 = arith.constant 2 : i32
        %add3A_67 = arith.addi %add3A_45, %add3A_66 : i32
        %dma_start3A_68 = arith.constant 0 : i32
        %dma_start3A_69 = tpu.memref_slice %arg5[%add3A_67, %dma_start3A_68] : memref<50x128xi32, #tpu.memory_space<vmem>> -> memref<1x128xi32, #tpu.memory_space<vmem>>
        %dma_start3A_70 = tpu.memref_squeeze %dma_start3A_69 : memref<1x128xi32, #tpu.memory_space<vmem>> -> memref<128xi32, #tpu.memory_space<vmem>>
        %dma_start3A_71 = arith.constant 0 : i32
        %dma_start3A_72 = arith.constant 0 : i32
        %dma_start3A_73 = tpu.memref_slice %arg3[%dma_start3A_71, %dma_start3A_72] : memref<100000x128xf32, #tpu.memory_space<hbm>> -> memref<100000x128xf32, #tpu.memory_space<hbm>>
        tpu.enqueue_indirect_dma source(%dma_start3A_73 : memref<100000x128xf32, #tpu.memory_space<hbm>>) target(%arg7 : memref<128x128xf32, #tpu.memory_space<vmem>>) offsets(%dma_start3A_70 : memref<128xi32, #tpu.memory_space<vmem>>) semaphore(%arg12 : memref<!tpu.dma_semaphore, #tpu.memory_space<semaphore_mem>>)
      } else {
      }
      "tpu.region"() ({
        %run_scoped3A = tpu.sem_alloc : memref<!tpu.dma_semaphore, #tpu.memory_space<semaphore_mem>>
        %dma_start3A_66 = arith.constant 0 : i32
        %dma_start3A_67 = tpu.memref_slice %arg4[%add3A_45, %dma_start3A_66, %mul3A_2] : memref<50x64x4096xf32, #tpu.memory_space<hbm>> -> memref<1x64x128xf32, #tpu.memory_space<hbm>>
        %dma_start3A_68 = tpu.memref_squeeze %dma_start3A_67 : memref<1x64x128xf32, #tpu.memory_space<hbm>> -> memref<64x128xf32, #tpu.memory_space<hbm>>
        %dma_start3A_69 = arith.constant 0 : i32
        %dma_start3A_70 = tpu.memref_slice %arg4[%add3A_45, %dma_start3A_69, %mul3A_2] : memref<50x64x4096xf32, #tpu.memory_space<hbm>> -> memref<1x64x128xf32, #tpu.memory_space<hbm>>
        %dma_start3A_71 = tpu.memref_squeeze %dma_start3A_70 : memref<1x64x128xf32, #tpu.memory_space<hbm>> -> memref<64x128xf32, #tpu.memory_space<hbm>>
        tpu.enqueue_dma source(%arg10 : memref<64x128xf32, #tpu.memory_space<vmem>>) target(%dma_start3A_71 : memref<64x128xf32, #tpu.memory_space<hbm>>) target_semaphore(%run_scoped3A : memref<!tpu.dma_semaphore, #tpu.memory_space<semaphore_mem>>)
        %dma_wait3A_72 = arith.constant 0 : i32
        %dma_wait3A_73 = tpu.memref_slice %arg4[%add3A_45, %dma_wait3A_72, %mul3A_2] : memref<50x64x4096xf32, #tpu.memory_space<hbm>> -> memref<1x64x128xf32, #tpu.memory_space<hbm>>
        %dma_wait3A_74 = tpu.memref_squeeze %dma_wait3A_73 : memref<1x64x128xf32, #tpu.memory_space<hbm>> -> memref<64x128xf32, #tpu.memory_space<hbm>>
        %dma_wait3A_75 = arith.constant 0 : i32
        %dma_wait3A_76 = tpu.memref_slice %arg4[%add3A_45, %dma_wait3A_75, %mul3A_2] : memref<50x64x4096xf32, #tpu.memory_space<hbm>> -> memref<1x64x128xf32, #tpu.memory_space<hbm>>
        %dma_wait3A_77 = tpu.memref_squeeze %dma_wait3A_76 : memref<1x64x128xf32, #tpu.memory_space<hbm>> -> memref<64x128xf32, #tpu.memory_space<hbm>>
        tpu.wait_dma2 semaphore(%run_scoped3A : memref<!tpu.dma_semaphore, #tpu.memory_space<semaphore_mem>>) src(%arg10 : memref<64x128xf32, #tpu.memory_space<vmem>>) dst(%dma_wait3A_77 : memref<64x128xf32, #tpu.memory_space<hbm>>)
        tpu.yield
      }) : () -> ()
    }
    %scan3A_23 = arith.constant 25 : i32
    return
  }
}

</mosaic_0001>

<sc_bundles>
// kernel: _sc_gather_t.3.cloned.1.call-start
scs
__scs_entry_jumppad:
0x0: {  	(pc) =	sbr.rel $0x88, $3  }
0x1: {  	(tag) =	ssettag $0x0;
	lr =	simm.s32 $0x1  }
0x2: {  	[smem:$0x3F9F] =	sst lr;
	_ =	strace $0xD0000000  }
0x3: {  	_ = 	snop  }
0x4: {  	_ = 	snop  }
0x5: {  	_ = 	snop  }
0x6: {  	_ = 	snop  }
0x7: {  	_ = 	snop  }
__scs_overlays_trampoline_lowered:
0x8: {  	[smem:$0x3FAE] =	sst s0  }
0x9: {  	[smem:$0x3FAF] =	sst s1  }
0xa: {  	[smem:$0x3FB0] =	sst s2  }
0xb: {  	[smem:$0x3FB1] =	sst s3  }
0xc: {  	[smem:$0x3FB2] =	sst s4  }
0xd: {  	[smem:$0x3FB3] =	sst s5  }
0xe: {  	[smem:$0x3FB4] =	sst s6  }
0xf: {  	[smem:$0x3FB5] =	sst s7  }
0x10: {  	[smem:$0x3FB6] =	sst s8  }
0x11: {  	[smem:$0x3FB7] =	sst s9;
	s0 =	simm.s32 @!p0 $0x0  }
0x12: {  	s1 =	sld [smem:$0x3F9D];
	s0 =	simm.s32 @p0 $0x1  }
0x13: {  	[smem:$0x3FB8] =	sst s0;
	s0 =	simm.s32 @!p1 $0x0  }
0x14: {  	s2 =	sld [smem:$0x3F9C];
	s0 =	simm.s32 @p1 $0x1  }
0x15: {  	[smem:$0x3FB9] =	sst s0;
	s0 =	simm.s32 @!p2 $0x0  }
0x16: {  	s3 =	sld [smem:$0x3FDB];
	s0 =	simm.s32 @p2 $0x1  }
0x17: {  	s4 =	simm.s32 $0x1BF5;
	[smem:$0x3FBB] =	sst s0  }
0x18: {  	s0 =	sld [smem:$0x3F9E];
	_ =	swait.ge [sflag:s4], $0x0  }
0x19: {  	s7 =	sld [smem:$0x3F9F]  }
0x1a: {  	s8 =	sadd.s32 $0xFFFFE003, lr  }
0x1b: {  	s9 =	sadd.s32 $0xFFFFFEF7, lr;
	s5 =	simm.s32 $0xFFFFFFFF;
	p2 =	slt.u32 s8, $0xFFFFF086  }
0x1c: {  	p1 =	slt.u32 s9, $0xF7A;
	s5 =	simm.s32 @!p2 $0x0  }
0x1d: {  	s5 =	simm.s32 @p1 $0x1;
	p0 =	seq.s32 s7, s2  }
0x1e: {  	s7 =	smul.u32 @!p0 $0xF7A, s2;
	p2 =	seq.s32 @!p0 s5, $0x0  }
0x1f: {  	s9 =	smul.u32 $0xF7A, s1;
	s8 =	simm.s32 @!p0 $0x1BF5;
	p2 =	por !p2, p0  }
0x20: {  	[sflag:s8] =	ssyncset.s32 @!p0 $0xFFFFF086;
	s6 =	sadd.s32 @!p0 s3, s7;
	s7 =	simm.s32 @!p0 $0x108  }
0x21: {  	s3 =	sadd.s32 s3, s9;
	s6 =	sadd.s32 @!p0 $0x88, s6;
	s7 =	simm.s32 @p2 $0x1082  }
0x22: {  	[simem:s7], [sflag:s8] =	dma.local @!p0 [hbm:s6], $0xF7A  }
0x23: {  	s9 =	sor.u32 $0xD0000000, s2;
	s6 =	simm.s32 $0x108;
	_ =	swait.ge @!p0 [sflag:s8], $0x0  }
0x24: {  	s3 =	sadd.s32 $0x88, s3;
	s6 =	simm.s32 @!p1 $0x1082;
	[sflag:s4] =	ssyncset.s32 $0xFFFFF086  }
0x25: {  	[simem:s6], [sflag:s4] =	dma.local [hbm:s3], $0xF7A  }
0x26: {  	[smem:$0x3F9F] =	sst s1;
	(tag) =	ssettag s2;
	_ =	strace s9  }
0x27: {  	s1 =	sld [smem:$0x3FAF]  }
0x28: {  	s2 =	sld [smem:$0x3FB0]  }
0x29: {  	s4 =	sld [smem:$0x3FB2]  }
0x2a: {  	p0 =	seq.s32 s5, $0x0;
	s5 =	sld [smem:$0x3FB3]  }
0x2b: {  	s6 =	sld [smem:$0x3FB4]  }
0x2c: {  	s7 =	sld [smem:$0x3FB5]  }
0x2d: {  	s3 =	simm.s32 $0x108;
	s8 =	sld [smem:$0x3FB6]  }
0x2e: {  	s3 =	simm.s32 @!p0 $0x1082;
	s9 =	sld [smem:$0x3FB7]  }
0x2f: {  	lr =	sadd.s32 s0, s3;
	s0 =	sld [smem:$0x3FAE]  }
0x30: {  	s3 =	sld [smem:$0x3FB1]  }
0x31: {  	[smem:$0x3FBA] =	sst s10  }
0x32: {  	s10 =	sld [smem:$0x3FB8];
	_ =	sdelay $0x3  }
0x33: {  	p0 =	seq.s32 s10, $0x1;
	s10 =	sld [smem:$0x3FBA];
	_ =	sdelay $0x3  }
0x34: {  	[smem:$0x3FBA] =	sst s10  }
0x35: {  	s10 =	sld [smem:$0x3FB9];
	_ =	sdelay $0x3  }
0x36: {  	p1 =	seq.s32 s10, $0x1;
	s10 =	sld [smem:$0x3FBA];
	_ =	sdelay $0x3  }
0x37: {  	[smem:$0x3FBA] =	sst s10  }
0x38: {  	s10 =	sld [smem:$0x3FBB]  }
0x39: {  	_ = 	snop;
	(pc) =	sbr.ind lr, $3  }
0x3a: {  	_ = 	snop  }
0x3b: {  	_ = 	snop  }
0x3c: {  	p2 =	seq.s32 s10, $0x1;
	s10 =	sld [smem:$0x3FBA]  }
0x3d: {  	_ =	shalt  }
0x3e: {  	_ =	shalt  }
0x3f: {  	_ =	shalt  }
0x40: {  	_ =	shalt  }
0x41: {  	_ =	shalt  }
0x42: {  	_ =	shalt  }
0x43: {  	_ =	shalt  }
0x44: {  	_ =	shalt  }
0x45: {  	_ =	shalt  }
0x46: {  	_ =	shalt  }
0x47: {  	_ =	shalt  }
0x48: {  	_ =	shalt  }
0x49: {  	_ =	shalt  }
0x4a: {  	_ =	shalt  }
0x4b: {  	_ =	shalt  }
0x4c: {  	_ =	shalt  }
0x4d: {  	_ =	shalt  }
0x4e: {  	_ =	shalt  }
0x4f: {  	_ =	shalt  }
0x50: {  	_ =	shalt  }
0x51: {  	_ =	shalt  }
0x52: {  	_ =	shalt  }
0x53: {  	_ =	shalt  }
0x54: {  	_ =	shalt  }
0x55: {  	_ =	shalt  }
0x56: {  	_ =	shalt  }
0x57: {  	_ =	shalt  }
0x58: {  	_ =	shalt  }
0x59: {  	_ =	shalt  }
0x5a: {  	_ =	shalt  }
0x5b: {  	_ =	shalt  }
0x5c: {  	_ =	shalt  }
0x5d: {  	_ =	shalt  }
0x5e: {  	_ =	shalt  }
0x5f: {  	_ =	shalt  }
0x60: {  	_ =	shalt  }
0x61: {  	_ =	shalt  }
0x62: {  	_ =	shalt  }
0x63: {  	_ =	shalt  }
0x64: {  	_ =	shalt  }
0x65: {  	_ =	shalt  }
0x66: {  	_ =	shalt  }
0x67: {  	_ =	shalt  }
0x68: {  	_ =	shalt  }
0x69: {  	_ =	shalt  }
0x6a: {  	_ =	shalt  }
0x6b: {  	_ =	shalt  }
0x6c: {  	_ =	shalt  }
0x6d: {  	_ =	shalt  }
0x6e: {  	_ =	shalt  }
0x6f: {  	_ =	shalt  }
0x70: {  	_ =	shalt  }
0x71: {  	_ =	shalt  }
0x72: {  	_ =	shalt  }
0x73: {  	_ =	shalt  }
0x74: {  	_ =	shalt  }
0x75: {  	_ =	shalt  }
0x76: {  	_ =	shalt  }
0x77: {  	_ =	shalt  }
0x78: {  	_ =	shalt  }
0x79: {  	_ =	shalt  }
0x7a: {  	_ =	shalt  }
0x7b: {  	_ =	shalt  }
0x7c: {  	_ =	shalt  }
0x7d: {  	_ =	shalt  }
0x7e: {  	_ =	shalt  }
0x7f: {  	_ =	shalt  }
0x80: {  	_ =	shalt  }
0x81: {  	_ =	shalt  }
0x82: {  	_ =	shalt  }
0x83: {  	_ =	shalt  }
0x84: {  	_ =	shalt  }
0x85: {  	_ =	shalt  }
0x86: {  	_ =	shalt  }
0x87: {  	_ =	shalt  }
.Lfunc_end0:
.L_simem_size_0:
called_computation_lowered:
.L_overlay_start_0:
0x88: {  	s2 =	sld [smem:$0x3FD9]  }
0x89: {  	s3 =	sld [smem:$0x3FFE];
	_ =	sdelay $0x1  }
0x8a: {  	s1 =	srdreg.scid  }
0x8b: {  	s0 =	sand.u32 $0x1, s1  }
0x8c: {  	s18 =	sshll.u32 s0, $0xA;
	s2 =	sadd.s32 s3, s2  }
0x8d: {  	s2 =	sadd.s32 s2, s18  }
0x8e: {  	[smem:$0x3FC6] =	sst s2  }
0x8f: {  	_ = 	snop  }
0x90: {  	s2 =	sld [smem:$0x3FC9]  }
0x91: {  	s19 =	sld [smem:$0x3FC8]  }
0x92: {  	s4 =	sld [smem:$0x3FD0];
	(tm) =	ssettm $0x1  }
0x93: {  	s5 =	sld [smem:$0x3FFB];
	_ =	sdelay $0x3  }
0x94: {  	_ =	strace s5  }
0x95: {  	s5 =	sld [smem:$0x3FFC];
	_ =	sdelay $0x3  }
0x96: {  	_ =	strace s5  }
0x97: {  	s5 =	sld [smem:$0x3FFD];
	_ =	sdelay $0x3  }
0x98: {  	_ =	strace s5  }
0x99: {  	_ =	strace $0x8FFFFFFF  }
0x9a: {  	s20 =	sld [smem:$0x3FDB];
	_ =	sdelay $0x1  }
0x9b: {  	s6 =	simm.s32 $_scs_section_size  }
0x9c: {  	s7 =	simm.s32 $_size__tile_overlayer_lowered;
	s8 =	simm.s32 $_tile_overlayer_lowered  }
0x9d: {  	s23 =	simm.s32 $0x1BFF;
	s22 =	sshll.u32 s8, $0x1;
	s5 =	sadd.s32 s6, s20  }
0x9e: {  	s9 =	simm.s32 $0x0;
	s21 =	sshll.u32 s7, $0x1;
	s7 =	sadd.s32 s22, s5  }
0x9f: {  	[timem:s9], [sflag:s23] =	dma.local [hbm:s7], s21  }
0xa0: {  	_ =	swait.ge [sflag:s23], s21  }
0xa1: {  	s6 =	ssub.s32 $0x0, s21;
	[sflag:s23] =	ssyncset.done $0x0  }
0xa2: {  	[sflag:s23] =	ssyncadd.s32 s6;
	_ =	sdelay $0x1  }
0xa3: {  	s24 =	simm.s32 $0x1B8B  }
0xa4: {  	_ =	swait.ge [sflag:s24], $0x1  }
0xa5: {  	[sflag:s24] =	ssyncset.done $0x0  }
0xa6: {  	s25 =	simm.s32 $0x1B8E;
	[sflag:s24] =	ssyncadd.s32 $0xFFFFFFFF  }
0xa7: {  	s26 =	simm.s32 $execute0_lowered;
	[smem:$0x3FD2] =	sst s25  }
0xa8: {  	s6 =	sshll.u32 s26, $0x1;
	_ =	strace $0x80000046;
	[dreg:$0x1] =	wrdreg $0xFFFFFFFF  }
0xa9: {  	s28 =	simm.s32 $_size_execute0_lowered;
	s5 =	sadd.s32 s5, s6;
	[dreg:$0x0] =	wrdreg $0x0  }
0xaa: {  	s6 =	sshll.u32 s28, $0x1;
	[dreg:$0x2] =	wrdreg s5  }
0xab: {  	[dreg:$0x3] =	wrdreg s6  }
0xac: {  	[dreg:$0x4] =	wrdreg $0xC0  }
0xad: {  	_ =	task [dreg:s9], $0x5FFFF  }
0xae: {  	[dreg:$0x1] =	wrdreg $0xFFFFFFFF  }
0xaf: {  	[dreg:$0x0] =	wrdreg $0x60  }
0xb0: {  	[dreg:$0x2] =	wrdreg s2  }
0xb1: {  	[dreg:$0x3] =	wrdreg s19  }
0xb2: {  	[dreg:$0x4] =	wrdreg s4  }
0xb3: {  	[dreg:$0x5] =	wrdreg $0x9  }
0xb4: {  	_ =	task.clear_ibuf [dreg:s9], $0x6FFFF;
	_ =	strace $0x90000046  }
0xb5: {  	s29 =	simm.s32 $0x9;
	_ =	strace $0x80000048  }
0xb6: {  	_ =	swait.ge [sflag:s29], $0x1  }
0xb7: {  	[sflag:s29] =	ssyncadd.s32 $0xFFFFFFFF  }
0xb8: {  	_ =	strace $0x90000048  }
0xb9: {  	_ =	sfence  }
0xba: {  	s30 =	sld [smem:$0x0];
	_ =	sdelay $0x2  }
0xbb: {  	s31 =	sshll.u32 s1, $0xD;
	s1 =	sshrl.u32 s1, $0x2  }
0xbc: {  	s3 =	sand.u32 $0x4000, s31;
	s1 =	sadd.s32 s1, s30  }
0xbd: {  	s0 =	sor.u32 s3, s0;
	s1 =	sshll.u32 s1, $0x11  }
0xbe: {  	s0 =	sor.u32 s1, s0  }
0xbf: {  	s0 =	sadd.s32 $0x8F2B, s0  }
0xc0: {  	[sflag:s0] =	ssyncadd.remote.s32 $0x1  }
0xc1: {  	_ =	sfence.sel $0xFFFF  }
0xc2: {  	[dreg:$0x0] =	wrdreg $0xFFFFFFFF;
	(pc) =	sbr.abs _section_cstart, $3  }
0xc3: {  	[dreg:$0x1] =	wrdreg $0xFFFFFFFF  }
0xc4: {  	_ =	task.clear_ibuf [dreg:s9], $0x2FFFF;
	_ =	strace $0x9FFFFFFF  }
0xc5: {  	(tm) =	ssettm $0x7FFFFFFF  }
tec
execute0_lowered:
.L_overlay_start_1:
0x0: {  	(tag) =	ssettag $0x1  }
0x1: {  	s0 =	rddreg [dreg:$0x0];
	s1 =	srdreg.scid  }
0x2: {  	s2 =	stileid.u32;
	s4 =	rddreg [dreg:$0x2]  }
0x3: {  	s26 =	simm.s32 $0x0;
	s1 =	sand.u32 $0x1, s1;
	s2 =	sshll.u32 s2, $0xB  }
0x4: {  	[smem:$0x7FF] =	sst s26;
	s3 =	sshll.u32 s1, $0xA;
	s1 =	ssub.s32 $0x2, s1  }
0x5: {  	s31 =	sadd.s32 $0x8000, s4;
	s2 =	sor.u32 s3, s2;
	s28 =	sshrl.u32 s1, $0x1  }
0x6: {  	[dreg:$0x1c] =	wrdreg s2;
	s2 =	sshrl.u32 s2, $0x3;
	s29 =	ssub.s32 s1, s28  }
0x7: {  	s2 =	sadd.s32 s0, s2;
	_ =	strace $0x80000047;
	[dreg:$0x1f] =	wrdreg s31  }
0x8: {  	s0 =	smax.u32 s29, $0x1;
	[dreg:$0x1d] =	wrdreg s2  }
0x9: {  	v0 =	vlaneseq.u32;
	s30 =	sadd.s32 $0x6000, s2;
	[smem:$0x7FD] =	sst s0  }
0xa: {  	s20 =	simm.s32 $0x9C00;
	v0 =	vmul.u32 $0x11, v0;
	s1 =	simm.s32 $0x0;
	[dreg:$0x1e] =	wrdreg s30  }
.LBB2_1:
0xb: {  	[smem:$0x7FB] =	sst s1;
	s23 =	simm.s32 $0x0  }
0xc: {  	s0 =	rddreg [dreg:$0x1d];
	s2 =	simm.s32 $0x400;
	s3 =	simm.s32 $0x8000  }
0xd: {  	[tilespmem:s23], [sflag:$0x3] =	stream.strided.gather [hbm4b:s0+s2], $0x1800, s3, s2, $0x38;
	[tilespmem:$0xFE00] =	vst v63  }
0xe: {  	s24 =	rddreg [dreg:$0x1e];
	s25 =	simm.s32 $0x1800;
	s26 =	simm.s32 $0x3  }
0xf: {  	[tilespmem:s25], [sflag:$0x3] =	stream.linear.gather [hbm4b:s24+s23], $0x100, $0x38;
	[tilespmem:$0xFE00] =	vst v63  }
0x10: {  	_ =	swait.ge [sflag:s26], $0x1900  }
0x11: {  	[sflag:s26] =	ssyncset.done $0x0  }
0x12: {  	s28 =	simm.s32 $0x80;
	[sflag:s26] =	ssyncadd.s32 $0xFFFFE700  }
0x13: {  	s29 =	simm.s32 $0x1C00;
	s31 =	simm.s32 $0x0;
	s0 =	rddreg [dreg:$0x1]  }
0x14: {  	[tilespmem:s29], [sflag:$0x1] =	stream.indirect.gather [hbm4b:s0+s28], $0x80, s23, s28, $0xb8;
	[tilespmem:$0xFE00] =	vst v63  }
0x15: {  	s30 =	simm.s32 $0x5C00;
	[smem:$0x7FC] =	sst s31  }
0x16: {  	[tilespmem:s30], [sflag:$0x2] =	stream.indirect.gather [hbm4b:s0+s28], $0x80, s28, s28, $0xb8;
	[tilespmem:$0xFE00] =	vst v63  }
.LBB2_2:
0x17: {  	s0 =	simm.s32 $0x1  }
0x18: {  	s25 =	simm.s32 $0x1E00;
	s15 =	simm.s32 $0x0;
	s1 =	simm.s32 $0x1  }
0x19: {  	s3 =	simm.s32 $0x6;
	s18 =	simm.s32 $0x2;
	s4 =	simm.s32 $0xFFFFFFF7  }
0x1a: {  	s6 =	simm.s32 $0x5;
	s7 =	simm.s32 $0x4;
	_ =	swait.ge [sflag:s0], $0x4000  }
0x1b: {  	s8 =	simm.s32 $0x3;
	s1 =	sand.u32 $0x9, s1;
	[sflag:s0] =	ssyncset.done $0x0  }
0x1c: {  	s17 =	sand.u32 $0xE, s3;
	s1 =	smul.u32 $0x44, s1;
	[sflag:s0] =	ssyncadd.s32 $0xFFFFC000  }
0x1d: {  	s3 =	sand.u32 $0xA, s18;
	s6 =	sand.u32 $0xD, s6;
	s0 =	smul.u32 $0x1100, s15;
	v1 =	vld [tilespmem:s25+$0xFFFFFE80]  }
0x1e: {  	s8 =	sand.u32 $0xB, s8;
	s22 =	sand.u32 $0xC, s7;
	s3 =	smul.u32 $0x44, s3;
	v3 =	vld [tilespmem:s25+$0x180]  }
0x1f: {  	s29 =	sand.u32 $0xF, s4;
	s6 =	smul.u32 $0x44, s6;
	v5 =	vld [tilespmem:s25+$0x80];
	s0 =	sshra.s32 s0, $0x2  }
0x20: {  	s19 =	smul.u32 $0x44, s8;
	s16 =	sshrl.u32 s1, $0x2;
	v2 =	vld [tilespmem:s25+$0xFFFFFF00];
	s2 =	sadd.s32 $0x9C00, s0  }
0x21: {  	s4 =	smul.u32 $0x44, s29;
	s1 =	simm.s32 $0x0;
	v6 =	vld [tilespmem:s25+$0x100];
	s24 =	sadd.s32 s16, s2  }
0x22: {  	s21 =	sshrl.u32 s6, $0x2;
	s5 =	sand.u32 $0x8, s1;
	s0 =	smul.u32 $0x44, s17;
	[tilespmem:s24+$0x0] =	vst v1;
	v1 =	vld [tilespmem:s25+$0xFFFFFE00]  }
0x23: {  	v7 =	vld [tilespmem:s25+$0xFFFFFF80];
	s31 =	sshrl.u32 s4, $0x2;
	s5 =	smul.u32 $0x44, s5;
	s12 =	sadd.s32 s21, s2  }
0x24: {  	s23 =	smul.u32 $0x44, s22;
	v8 =	vld [tilespmem:s25+$0x0];
	s15 =	sadd.s32 s31, s2;
	s0 =	sshrl.u32 s0, $0x2;
	[tilespmem:s12+$0x0] =	vst v5  }
0x25: {  	s3 =	sshrl.u32 s3, $0x2;
	s5 =	sshrl.u32 s5, $0x2;
	s16 =	sadd.s32 s0, s2;
	[tilespmem:s15+$0x0] =	vst v3;
	v4 =	vld [tilespmem:s25+$0xFFFFFE90]  }
0x26: {  	s26 =	sadd.s32 s3, s2;
	s3 =	sshrl.u32 s19, $0x2;
	s14 =	sadd.s32 s5, s2;
	v10 =	vld [tilespmem:s25+$0x90];
	[tilespmem:s16+$0x0] =	vst v6  }
0x27: {  	s30 =	sshrl.u32 s23, $0x2;
	s7 =	sadd.s32 s3, s2;
	v6 =	vld [tilespmem:s25+$0x190];
	[tilespmem:s14+$0x0] =	vst v1  }
0x28: {  	[tilespmem:s7+$0x0] =	vst v7;
	s0 =	sadd.s32 s30, s2;
	v9 =	vld [tilespmem:s25+$0xFFFFFE10]  }
0x29: {  	[tilespmem:s0+$0x0] =	vst v8;
	v11 =	vld [tilespmem:s25+$0x110]  }
0x2a: {  	[tilespmem:s24+$0x110] =	vst v4;
	v4 =	vld [tilespmem:s25+$0xFFFFFF90]  }
0x2b: {  	[tilespmem:s26+$0x0] =	vst v2;
	v7 =	vld [tilespmem:s25+$0x10]  }
0x2c: {  	v1 =	vld [tilespmem:s25+$0xFFFFFF10]  }
0x2d: {  	v2 =	vld [tilespmem:s25+$0xFFFFFEA0];
	[tilespmem:s14+$0x110] =	vst v9  }
0x2e: {  	[tilespmem:s12+$0x110] =	vst v10;
	v5 =	vld [tilespmem:s25+$0xFFFFFE20]  }
0x2f: {  	[tilespmem:s7+$0x110] =	vst v4;
	v4 =	vld [tilespmem:s25+$0xA0]  }
0x30: {  	s28 =	simm.s32 $0x2200;
	[tilespmem:s16+$0x110] =	vst v11;
	v3 =	vld [tilespmem:s25+$0xFFFFFFA0]  }
.LBB2_3:
0x31: {  	s2 =	sadd.s32 $0xE, s1  }
0x32: {  	s3 =	sadd.s32 $0xFFFFFFFF, s1;
	[tilespmem:s0+$0x110] =	vst v7;
	v7 =	vld [tilespmem:s25+$0x120];
	s4 =	smov.u32 s1;
	s1 =	sadd.s32 $0x8, s1  }
0x33: {  	s5 =	sshrl.u32 s1, $0x4;
	s6 =	sand.u32 $0x8, s1;
	s8 =	sadd.s32 $0xC, s4;
	v8 =	vld [tilespmem:s28+$0x180];
	[tilespmem:s14+$0x220] =	vst v5  }
0x34: {  	s9 =	sadd.s32 $0x9, s4;
	s2 =	sand.u32 $0xE, s2;
	s10 =	sand.u32 $0xF, s3;
	v5 =	vld [tilespmem:s28+$0xFFFFFF00];
	[tilespmem:s15+$0x110] =	vst v6  }
0x35: {  	s11 =	sadd.s32 $0xA, s4;
	s9 =	sand.u32 $0x9, s9;
	s3 =	smul.u32 $0x44, s2;
	[tilespmem:s12+$0x220] =	vst v4;
	v4 =	vld [tilespmem:s25+$0x1A0]  }
0x36: {  	s2 =	smul.u32 $0x44, s6;
	s6 =	sand.u32 $0xA, s11;
	s11 =	sadd.s32 $0xB, s4;
	[tilespmem:s7+$0x220] =	vst v3;
	v3 =	vld [tilespmem:s25+$0x20]  }
0x37: {  	p0 =	slt.u32 s1, $0x78;
	s5 =	smul.u32 $0x1100, s5;
	s11 =	sand.u32 $0xB, s11;
	v6 =	vld [tilespmem:s25+$0xFFFFFE30];
	[tilespmem:s16+$0x220] =	vst v7  }
0x38: {  	s8 =	sand.u32 $0xC, s8;
	s9 =	smul.u32 $0x44, s9;
	s13 =	sshrl.u32 s2, $0x2;
	[tilespmem:s26+$0x110] =	vst v1;
	v1 =	vld [tilespmem:s25+$0x130]  }
0x39: {  	s4 =	sadd.s32 $0xD, s4;
	s2 =	sshra.s32 s5, $0x2;
	s5 =	smul.u32 $0x44, s11;
	[tilespmem:s24+$0x220] =	vst v2;
	v2 =	vld [tilespmem:s25+$0xFFFFFF20]  }
0x3a: {  	s8 =	smul.u32 $0x44, s8;
	s2 =	sadd.s32 $0x9C00, s2;
	s9 =	sshrl.u32 s9, $0x2;
	v7 =	vld [tilespmem:s25+$0xFFFFFFB0];
	[tilespmem:s15+$0x220] =	vst v4  }
0x3b: {  	s6 =	smul.u32 $0x44, s6;
	s11 =	sadd.s32 s13, s2;
	s5 =	sshrl.u32 s5, $0x2;
	v4 =	vld [tilespmem:s28+$0xFFFFFE80];
	[tilespmem:s0+$0x220] =	vst v3  }
0x3c: {  	s4 =	sand.u32 $0xD, s4;
	s8 =	sshrl.u32 s8, $0x2;
	s9 =	sadd.s32 s9, s2;
	[tilespmem:s14+$0x330] =	vst v6;
	v3 =	vld [tilespmem:s25+$0xB0]  }
0x3d: {  	s4 =	smul.u32 $0x44, s4;
	s6 =	sshrl.u32 s6, $0x2;
	s8 =	sadd.s32 s8, s2;
	[tilespmem:s16+$0x330] =	vst v1;
	v1 =	vld [tilespmem:s25+$0x1B0]  }
0x3e: {  	s10 =	smul.u32 $0x44, s10;
	s6 =	sadd.s32 s6, s2;
	s14 =	smov.u32 s11;
	[tilespmem:s26+$0x220] =	vst v2;
	v2 =	vld [tilespmem:s25+$0x30]  }
0x3f: {  	s4 =	sshrl.u32 s4, $0x2;
	[tilespmem:s6+$0x0] =	vst v5;
	v5 =	vld [tilespmem:s25+$0xFFFFFEB0]  }
0x40: {  	s3 =	sshrl.u32 s3, $0x2;
	s10 =	sshrl.u32 s10, $0x2;
	s5 =	sadd.s32 s5, s2;
	[tilespmem:s9+$0x0] =	vst v4;
	v4 =	vld [tilespmem:s25+$0xFFFFFF30]  }
0x41: {  	s16 =	sadd.s32 s3, s2;
	s3 =	sadd.s32 s10, s2;
	v6 =	vld [tilespmem:s28+$0xFFFFFE90];
	[tilespmem:s7+$0x330] =	vst v7;
	s7 =	smov.u32 s5  }
0x42: {  	s25 =	smov.u32 s28;
	v7 =	vld [tilespmem:s28+$0xFFFFFE00];
	[tilespmem:s15+$0x330] =	vst v1;
	s15 =	smov.u32 s3  }
0x43: {  	v9 =	vld [tilespmem:s28+$0x80];
	[tilespmem:s12+$0x330] =	vst v3  }
0x44: {  	v3 =	vld [tilespmem:s28+$0x100];
	[tilespmem:s24+$0x330] =	vst v5;
	s24 =	smov.u32 s9  }
0x45: {  	v5 =	vld [tilespmem:s28+$0xFFFFFF80];
	[tilespmem:s26+$0x330] =	vst v4;
	s26 =	smov.u32 s6  }
0x46: {  	v4 =	vld [tilespmem:s28+$0x0];
	[tilespmem:s0+$0x330] =	vst v2;
	s0 =	smov.u32 s8  }
0x47: {  	s12 =	sadd.s32 s4, s2;
	[tilespmem:s14+$0x0] =	vst v7;
	v1 =	vld [tilespmem:s28+$0xFFFFFF10]  }
0x48: {  	v7 =	vld [tilespmem:s28+$0xFFFFFE10];
	[tilespmem:s12+$0x0] =	vst v9  }
0x49: {  	v9 =	vld [tilespmem:s28+$0x90];
	[tilespmem:s16+$0x0] =	vst v3  }
0x4a: {  	[tilespmem:s7+$0x0] =	vst v5;
	v10 =	vld [tilespmem:s28+$0x110]  }
0x4b: {  	[tilespmem:s24+$0x110] =	vst v6;
	v3 =	vld [tilespmem:s28+$0xFFFFFF90]  }
0x4c: {  	v2 =	vld [tilespmem:s28+$0xFFFFFEA0];
	[tilespmem:s0+$0x0] =	vst v4  }
.Ltmp0:
0x4d: {  	[tilespmem:s14+$0x110] =	vst v7;
	v7 =	vld [tilespmem:s28+$0x10];
	(pc) =	sbr.rel @p0 .LBB2_3-.Ltmp0, $4  }
0x4e: {  	v5 =	vld [tilespmem:s28+$0xFFFFFE20];
	[tilespmem:s15+$0x0] =	vst v8  }
0x4f: {  	[tilespmem:s12+$0x110] =	vst v9;
	v6 =	vld [tilespmem:s28+$0x190]  }
0x50: {  	[tilespmem:s7+$0x110] =	vst v3;
	v4 =	vld [tilespmem:s28+$0xA0]  }
0x51: {  	s28 =	sadd.s32 $0x400, s28;
	v3 =	vld [tilespmem:s25+$0xFFFFFFA0];
	[tilespmem:s16+$0x110] =	vst v10  }
0x52: {  	[tilespmem:s0+$0x110] =	vst v7  }
0x53: {  	[tilespmem:s26+$0x110] =	vst v1  }
0x54: {  	v7 =	vld [tilespmem:s25+$0x120];
	[tilespmem:s24+$0x220] =	vst v2  }
0x55: {  	[tilespmem:s14+$0x220] =	vst v5;
	v1 =	vld [tilespmem:s25+$0xFFFFFF20]  }
0x56: {  	[tilespmem:s15+$0x110] =	vst v6;
	v5 =	vld [tilespmem:s25+$0xFFFFFE30]  }
0x57: {  	[tilespmem:s12+$0x220] =	vst v4;
	v4 =	vld [tilespmem:s25+$0x1A0]  }
0x58: {  	[tilespmem:s7+$0x220] =	vst v3;
	v3 =	vld [tilespmem:s25+$0x20]  }
0x59: {  	[tilespmem:s16+$0x220] =	vst v7  }
0x5a: {  	v2 =	vld [tilespmem:s25+$0xFFFFFFB0];
	[tilespmem:s26+$0x220] =	vst v1  }
0x5b: {  	v6 =	vld [tilespmem:s25+$0x130];
	[tilespmem:s14+$0x330] =	vst v5  }
0x5c: {  	v5 =	vld [tilespmem:s25+$0xFFFFFF30];
	[tilespmem:s15+$0x220] =	vst v4  }
0x5d: {  	s1 =	simm.s32 $0x0;
	[tilespmem:s0+$0x220] =	vst v3;
	v3 =	vld [tilespmem:s25+$0x1B0]  }
0x5e: {  	s2 =	simm.s32 $0x0;
	s9 =	smul.u32 $0x440, s1;
	v1 =	vld [tilespmem:s25+$0xFFFFFEB0]  }
0x5f: {  	s14 =	sand.u32 $0x8, s2;
	v4 =	vld [tilespmem:s25+$0xB0];
	[tilespmem:s7+$0x330] =	vst v2  }
0x60: {  	s3 =	sor.u32 s14, s9;
	s5 =	sor.u32 $0x4, s14;
	[tilespmem:s16+$0x330] =	vst v6;
	v6 =	vld [tilespmem:s25+$0x30]  }
0x61: {  	s1 =	sor.u32 $0x2, s14;
	s23 =	sor.u32 s5, s9;
	v2 =	vadd.s32 s3, v0;
	[tilespmem:s26+$0x330] =	vst v5  }
0x62: {  	s22 =	sor.u32 s1, s9;
	v5 =	vadd.s32 s23, v0;
	[tilespmem:s15+$0x330] =	vst v3;
	s15 =	sor.u32 $0x1, s14  }
0x63: {  	s7 =	sor.u32 $0x3, s14;
	[tilespmem:s24+$0x330] =	vst v1;
	v3 =	vadd.s32 s22, v0;
	s4 =	sor.u32 s15, s9  }
0x64: {  	s11 =	sor.u32 $0x6, s14;
	s6 =	sor.u32 s7, s9;
	[tilespmem:s12+$0x330] =	vst v4;
	v1 =	vadd.s32 s4, v0  }
0x65: {  	s3 =	sor.u32 $0x5, s14;
	s25 =	sor.u32 s11, s9;
	v4 =	vadd.s32 s6, v0;
	[tilespmem:s0+$0x330] =	vst v6  }
0x66: {  	s24 =	sor.u32 s3, s9;
	v7 =	vadd.s32 s25, v0;
	s6 =	sor.u32 $0x7, s14;
	v2 =	vld.idx.msk [tilespmem:v2+s20+$0x0], $0xffff  }
0x67: {  	s10 =	sadd.s32 $0x110, s9;
	s26 =	sor.u32 s6, s9;
	v6 =	vadd.s32 s24, v0;
	v5 =	vld.idx.msk [tilespmem:v5+s20+$0x0], $0xffff  }
0x68: {  	s13 =	sand.u32 $0x70, s2;
	s28 =	sor.u32 s1, s10;
	v8 =	vadd.s32 s26, v0;
	v3 =	vld.idx.msk [tilespmem:v3+s20+$0x0], $0xffff  }
0x69: {  	s2 =	sadd.s32 $0x220, s9;
	s17 =	sshll.u32 s14, $0x7;
	v9 =	vadd.s32 s28, v0;
	s8 =	sor.u32 s15, s10;
	v1 =	vld.idx.msk [tilespmem:v1+s20+$0x0], $0xffff  }
0x6a: {  	s16 =	sor.u32 s7, s10;
	s23 =	sor.u32 s13, s17;
	s25 =	sshll.u32 s5, $0x7;
	v10 =	vadd.s32 s8, v0;
	v4 =	vld.idx.msk [tilespmem:v4+s20+$0x0], $0xffff  }
0x6b: {  	s31 =	sshll.u32 s1, $0x7;
	s19 =	sor.u32 s5, s10;
	v11 =	vadd.s32 s16, v0;
	s4 =	sor.u32 s13, s25;
	v7 =	vld.idx.msk [tilespmem:v7+s20+$0x0], $0xffff;
	[tilespmem:s23+$0xBE00] =	vst v2  }
0x6c: {  	s21 =	sor.u32 s11, s10;
	s22 =	sshll.u32 s15, $0x7;
	s0 =	sor.u32 s13, s31;
	v6 =	vld.idx.msk [tilespmem:v6+s20+$0x0], $0xffff;
	v2 =	vadd.s32 s19, v0;
	[tilespmem:s4+$0xBE00] =	vst v5  }
0x6d: {  	s18 =	sor.u32 s3, s10;
	s24 =	sshll.u32 s7, $0x7;
	s8 =	sor.u32 s13, s22;
	[tilespmem:s0+$0xBE00] =	vst v3;
	v3 =	vld.idx.msk [tilespmem:v8+s20+$0x0], $0xffff;
	v8 =	vadd.s32 s21, v0  }
0x6e: {  	v12 =	vadd.s32 s18, v0;
	s18 =	sshll.u32 s11, $0x7;
	s17 =	sor.u32 s6, s10;
	s12 =	sor.u32 s13, s24;
	[tilespmem:s8+$0xBE00] =	vst v1;
	v1 =	vld.idx.msk [tilespmem:v9+s20+$0x0], $0xffff  }
0x6f: {  	s28 =	sor.u32 s14, s10;
	s10 =	sor.u32 s13, s18;
	s19 =	sshll.u32 s3, $0x7;
	[tilespmem:s12+$0xBE00] =	vst v4;
	v4 =	vadd.s32 s17, v0;
	v9 =	vld.idx.msk [tilespmem:v10+s20+$0x0], $0xffff  }
0x70: {  	s26 =	sor.u32 s15, s2;
	[tilespmem:s10+$0xBE00] =	vst v7;
	v7 =	vadd.s32 s28, v0;
	s16 =	sor.u32 s13, s19;
	s21 =	sshll.u32 s6, $0x7;
	v10 =	vld.idx.msk [tilespmem:v11+s20+$0x0], $0xffff  }
0x71: {  	s31 =	sor.u32 s7, s2;
	v5 =	vadd.s32 s26, v0;
	s21 =	sor.u32 s13, s21;
	[tilespmem:s16+$0xBE00] =	vst v6;
	v2 =	vld.idx.msk [tilespmem:v2+s20+$0x0], $0xffff  }
0x72: {  	s22 =	sor.u32 s11, s2;
	v6 =	vld.idx.msk [tilespmem:v8+s20+$0x0], $0xffff;
	v8 =	vadd.s32 s31, v0;
	[tilespmem:s21+$0xBE00] =	vst v3  }
0x73: {  	s24 =	sor.u32 s5, s2;
	v11 =	vld.idx.msk [tilespmem:v12+s20+$0x0], $0xffff;
	v3 =	vadd.s32 s22, v0;
	[tilespmem:s0+$0xC600] =	vst v1  }
0x74: {  	s28 =	sor.u32 s6, s2;
	v4 =	vld.idx.msk [tilespmem:v4+s20+$0x0], $0xffff;
	[tilespmem:s8+$0xC600] =	vst v9;
	v9 =	vadd.s32 s24, v0  }
0x75: {  	s25 =	sor.u32 s3, s2;
	v7 =	vld.idx.msk [tilespmem:v7+s20+$0x0], $0xffff;
	[tilespmem:s12+$0xC600] =	vst v10;
	v10 =	vadd.s32 s28, v0  }
0x76: {  	s26 =	sadd.s32 $0x330, s9;
	s31 =	sor.u32 s14, s2;
	[tilespmem:s4+$0xC600] =	vst v2;
	v1 =	vld.idx.msk [tilespmem:v5+s20+$0x0], $0xffff;
	v5 =	vadd.s32 s25, v0  }
0x77: {  	s9 =	sor.u32 s15, s26;
	v2 =	vadd.s32 s31, v0;
	v8 =	vld.idx.msk [tilespmem:v8+s20+$0x0], $0xffff;
	[tilespmem:s10+$0xC600] =	vst v6  }
0x78: {  	s7 =	sor.u32 s7, s26;
	v12 =	vadd.s32 s9, v0;
	[tilespmem:s16+$0xC600] =	vst v11;
	v3 =	vld.idx.msk [tilespmem:v3+s20+$0x0], $0xffff  }
0x79: {  	s13 =	sor.u32 s11, s26;
	v6 =	vadd.s32 s7, v0;
	[tilespmem:s21+$0xC600] =	vst v4;
	v9 =	vld.idx.msk [tilespmem:v9+s20+$0x0], $0xffff  }
0x7a: {  	s5 =	sor.u32 s5, s26;
	v11 =	vadd.s32 s13, v0;
	[tilespmem:s23+$0xC600] =	vst v7;
	v4 =	vld.idx.msk [tilespmem:v10+s20+$0x0], $0xffff  }
0x7b: {  	s3 =	sor.u32 s3, s26;
	s15 =	simm.s32 $0x0;
	v5 =	vld.idx.msk [tilespmem:v5+s20+$0x0], $0xffff;
	[tilespmem:s8+$0xCE00] =	vst v1;
	v1 =	vadd.s32 s5, v0  }
0x7c: {  	s6 =	sor.u32 s6, s26;
	s25 =	simm.s32 $0x8;
	v10 =	vadd.s32 s3, v0;
	v2 =	vld.idx.msk [tilespmem:v2+s20+$0x0], $0xffff;
	s5 =	smul.u32 $0x440, s15  }
0x7d: {  	s2 =	sor.u32 s1, s2;
	s9 =	sand.u32 $0x8, s25;
	v7 =	vld.idx.msk [tilespmem:v12+s20+$0x0], $0xffff;
	[tilespmem:s12+$0xCE00] =	vst v8;
	v8 =	vadd.s32 s6, v0  }
0x7e: {  	s15 =	sor.u32 $0x2, s9;
	v12 =	vadd.s32 s2, v0;
	s17 =	sor.u32 s9, s5;
	v6 =	vld.idx.msk [tilespmem:v6+s20+$0x0], $0xffff;
	[tilespmem:s10+$0xCE00] =	vst v3  }
0x7f: {  	s7 =	sor.u32 $0x3, s9;
	s18 =	sor.u32 s15, s5;
	v3 =	vadd.s32 s17, v0;
	[tilespmem:s4+$0xCE00] =	vst v9;
	v9 =	vld.idx.msk [tilespmem:v11+s20+$0x0], $0xffff  }
0x80: {  	s3 =	sor.u32 $0x1, s9;
	s22 =	sor.u32 s7, s5;
	v11 =	vadd.s32 s18, v0;
	v1 =	vld.idx.msk [tilespmem:v1+s20+$0x0], $0xffff;
	[tilespmem:s16+$0xCE00] =	vst v5  }
0x81: {  	s6 =	sor.u32 $0x4, s9;
	s19 =	sor.u32 s3, s5;
	[tilespmem:s21+$0xCE00] =	vst v4;
	v4 =	vadd.s32 s22, v0;
	v10 =	vld.idx.msk [tilespmem:v10+s20+$0x0], $0xffff  }
0x82: {  	s24 =	sor.u32 s6, s5;
	v5 =	vadd.s32 s19, v0;
	s19 =	sor.u32 $0x5, s9;
	[tilespmem:s8+$0xD600] =	vst v7;
	v7 =	vld.idx.msk [tilespmem:v8+s20+$0x0], $0xffff  }
0x83: {  	[tilespmem:s23+$0xCE00] =	vst v2;
	s8 =	sor.u32 $0x6, s9;
	s28 =	sor.u32 s19, s5;
	v8 =	vadd.s32 s24, v0;
	v2 =	vld.idx.msk [tilespmem:v12+s20+$0x0], $0xffff  }
0x84: {  	s22 =	sor.u32 $0x7, s9;
	s31 =	sor.u32 s8, s5;
	v12 =	vadd.s32 s28, v0;
	[tilespmem:s12+$0xD600] =	vst v6;
	v3 =	vld.idx.msk [tilespmem:v3+s20+$0x0], $0xffff  }
0x85: {  	s2 =	sadd.s32 $0x110, s5;
	s13 =	sor.u32 s22, s5;
	v6 =	vld.idx.msk [tilespmem:v11+s20+$0x0], $0xffff;
	v11 =	vadd.s32 s31, v0;
	[tilespmem:s10+$0xD600] =	vst v9  }
0x86: {  	s17 =	sor.u32 s15, s2;
	v9 =	vadd.s32 s13, v0;
	v4 =	vld.idx.msk [tilespmem:v4+s20+$0x0], $0xffff;
	[tilespmem:s4+$0xD600] =	vst v1  }
0x87: {  	s1 =	sor.u32 s1, s26;
	s18 =	sor.u32 s3, s2;
	v5 =	vld.idx.msk [tilespmem:v5+s20+$0x0], $0xffff;
	v1 =	vadd.s32 s17, v0;
	[tilespmem:s16+$0xD600] =	vst v10  }
0x88: {  	s24 =	sor.u32 s7, s2;
	s28 =	sshll.u32 s9, $0x7;
	s13 =	sand.u32 $0x70, s25;
	v10 =	vadd.s32 s18, v0;
	v8 =	vld.idx.msk [tilespmem:v8+s20+$0x0], $0xffff;
	[tilespmem:s21+$0xD600] =	vst v7  }
0x89: {  	s31 =	sshll.u32 s15, $0x7;
	s4 =	sor.u32 s14, s26;
	s16 =	sor.u32 s13, s28;
	v7 =	vadd.s32 s24, v0;
	[tilespmem:s0+$0xCE00] =	vst v2;
	v12 =	vld.idx.msk [tilespmem:v12+s20+$0x0], $0xffff  }
0x8a: {  	s14 =	sor.u32 s6, s2;
	s17 =	sor.u32 s13, s31;
	s18 =	sshll.u32 s3, $0x7;
	[tilespmem:s16+$0xBE00] =	vst v3;
	v3 =	vadd.s32 s1, v0;
	v2 =	vld.idx.msk [tilespmem:v11+s20+$0x0], $0xffff  }
0x8b: {  	s21 =	sor.u32 s19, s2;
	s24 =	sshll.u32 s7, $0x7;
	s1 =	sor.u32 s13, s18;
	v11 =	vadd.s32 s14, v0;
	[tilespmem:s17+$0xBE00] =	vst v6;
	v6 =	vld.idx.msk [tilespmem:v9+s20+$0x0], $0xffff  }
0x8c: {  	s26 =	sor.u32 s8, s2;
	s28 =	sshll.u32 s6, $0x7;
	s30 =	sor.u32 s13, s24;
	v9 =	vadd.s32 s21, v0;
	[tilespmem:s1+$0xBE00] =	vst v5;
	v1 =	vld.idx.msk [tilespmem:v1+s20+$0x0], $0xffff  }
0x8d: {  	s11 =	sadd.s32 $0x220, s5;
	s31 =	sshll.u32 s19, $0x7;
	[tilespmem:s30+$0xBE00] =	vst v4;
	v5 =	vadd.s32 s26, v0;
	s26 =	sor.u32 s13, s28;
	v10 =	vld.idx.msk [tilespmem:v10+s20+$0x0], $0xffff  }
0x8e: {  	s29 =	sor.u32 s13, s31;
	s18 =	sor.u32 s22, s2;
	s21 =	sshll.u32 s8, $0x7;
	v4 =	vld.idx.msk [tilespmem:v7+s20+$0x0], $0xffff;
	[tilespmem:s26+$0xBE00] =	vst v8;
	v7 =	vadd.s32 s4, v0  }
0x8f: {  	s24 =	sor.u32 s3, s11;
	s14 =	sor.u32 s13, s21;
	s28 =	sshll.u32 s22, $0x7;
	v8 =	vadd.s32 s18, v0;
	[tilespmem:s29+$0xBE00] =	vst v12;
	v3 =	vld.idx.msk [tilespmem:v3+s20+$0x0], $0xffff  }
0x90: {  	s2 =	sor.u32 s9, s2;
	s12 =	sor.u32 s13, s28;
	v12 =	vadd.s32 s24, v0;
	v13 =	vld.idx.msk [tilespmem:v11+s20+$0x0], $0xffff;
	[tilespmem:s14+$0xBE00] =	vst v2  }
0x91: {  	s31 =	sor.u32 s7, s11;
	v14 =	vld.idx.msk [tilespmem:v9+s20+$0x0], $0xffff;
	v9 =	vadd.s32 s2, v0;
	[tilespmem:s12+$0xBE00] =	vst v6  }
0x92: {  	s10 =	sor.u32 s8, s11;
	v6 =	vld.idx.msk [tilespmem:v5+s20+$0x0], $0xffff;
	[tilespmem:s17+$0xC600] =	vst v1;
	v5 =	vadd.s32 s31, v0  }
0x93: {  	v15 =	vadd.s32 s10, v0;
	[tilespmem:s1+$0xC600] =	vst v10;
	v7 =	vld.idx.msk [tilespmem:v7+s20+$0x0], $0xffff  }
0x94: {  	s21 =	sor.u32 s19, s11;
	s18 =	sadd.s32 $0x330, s5;
	v2 =	vld.idx.msk [tilespmem:v8+s20+$0x0], $0xffff;
	[tilespmem:s30+$0xC600] =	vst v4  }
0x95: {  	s13 =	sor.u32 s6, s11;
	s24 =	sor.u32 s9, s11;
	s28 =	sor.u32 s7, s18;
	[tilespmem:s0+$0xD600] =	vst v3;
	v3 =	vld.idx.msk [tilespmem:v12+s20+$0x0], $0xffff  }
0x96: {  	s7 =	sor.u32 s15, s11;
	s3 =	sor.u32 s3, s18;
	s5 =	sor.u32 s19, s18;
	v11 =	vadd.s32 s13, v0;
	v1 =	vadd.s32 s28, v0;
	[tilespmem:s26+$0xC600] =	vst v13;
	v4 =	vld.idx.msk [tilespmem:v9+s20+$0x0], $0xffff  }
0x97: {  	s4 =	sor.u32 s8, s18;
	s2 =	sor.u32 s9, s18;
	s31 =	sor.u32 s22, s11;
	v10 =	vadd.s32 s3, v0;
	v8 =	vadd.s32 s24, v0;
	v5 =	vld.idx.msk [tilespmem:v5+s20+$0x0], $0xffff;
	[tilespmem:s14+$0xC600] =	vst v6  }
0x98: {  	s22 =	sor.u32 s22, s18;
	s11 =	sor.u32 s15, s18;
	v12 =	vadd.s32 s21, v0;
	s21 =	sor.u32 s6, s18;
	v9 =	vadd.s32 s31, v0;
	[tilespmem:s29+$0xC600] =	vst v14;
	v6 =	vld.idx.msk [tilespmem:v15+s20+$0x0], $0xffff  }
.LBB2_5:
0x99: {  	[dreg:$0x6] =	wrdreg s2  }
0x9a: {  	[dreg:$0x5] =	wrdreg s11;
	s25 =	sadd.s32 $0x8, s25  }
0x9b: {  	s2 =	simm.s32 $0x9C00;
	s0 =	sshrl.u32 s25, $0x4;
	s9 =	sand.u32 $0x8, s25;
	[tilespmem:s23+$0xD600] =	vst v7  }
0x9c: {  	v11 =	vld.idx.msk [tilespmem:v11+s20+$0x0], $0xffff;
	s8 =	sor.u32 $0x1, s9;
	s3 =	sor.u32 $0x2, s9;
	s13 =	smul.u32 $0x440, s0;
	[tilespmem:s12+$0xC600] =	vst v2  }
0x9d: {  	s11 =	sor.u32 $0x3, s9;
	s6 =	sor.u32 $0x7, s9;
	s19 =	sshll.u32 s3, $0x7;
	v7 =	vld.idx.msk [tilespmem:v12+s20+$0x0], $0xffff;
	[tilespmem:s1+$0xCE00] =	vst v3  }
0x9e: {  	s23 =	smov.u32 s16;
	v12 =	vadd.s32 s4, v0;
	s4 =	sor.u32 $0x5, s9;
	[dreg:$0x8] =	wrdreg s19;
	[tilespmem:s30+$0xCE00] =	vst v5;
	v3 =	vld.idx.msk [tilespmem:v9+s20+$0x0], $0xffff  }
0x9f: {  	v2 =	vadd.s32 s21, v0;
	s19 =	sor.u32 $0x6, s9;
	v5 =	vadd.s32 s22, v0;
	s21 =	sor.u32 s9, s13;
	s22 =	sor.u32 s8, s13;
	[tilespmem:s23+$0xC600] =	vst v4;
	v4 =	vld.idx.msk [tilespmem:v10+s20+$0x0], $0xffff  }
0xa0: {  	s15 =	sor.u32 s11, s13;
	[tilespmem:s14+$0xCE00] =	vst v6;
	s24 =	sor.u32 s3, s13;
	s16 =	sor.u32 s6, s13;
	v10 =	vadd.s32 s7, v0;
	v8 =	vld.idx.msk [tilespmem:v8+s20+$0x0], $0xffff  }
0xa1: {  	v9 =	vadd.s32 s5, v0;
	s5 =	sor.u32 $0x4, s9;
	s7 =	sadd.s32 $0x110, s13;
	[tilespmem:s26+$0xCE00] =	vst v11;
	s0 =	sor.u32 s4, s13  }
0xa2: {  	s18 =	sor.u32 s19, s13;
	s10 =	sor.u32 s4, s7;
	s28 =	sor.u32 s19, s7;
	[tilespmem:s29+$0xCE00] =	vst v7  }
0xa3: {  	v6 =	vadd.s32 s21, v0;
	s21 =	sor.u32 s3, s7;
	s31 =	sor.u32 s5, s13;
	[dreg:$0x16] =	wrdreg s10;
	v11 =	vld.idx.msk [tilespmem:v12+s20+$0x0], $0xffff;
	[tilespmem:s12+$0xCE00] =	vst v3  }
0xa4: {  	[dreg:$0xe] =	wrdreg s28;
	s10 =	sor.u32 s8, s7;
	s28 =	sor.u32 s11, s7;
	v7 =	vadd.s32 s22, v0;
	[tilespmem:s1+$0xD600] =	vst v4;
	v4 =	vld.idx.msk [tilespmem:v5+s20+$0x0], $0xffff  }
0xa5: {  	s22 =	sshll.u32 s8, $0x7;
	v5 =	vadd.s32 s31, v0;
	[tilespmem:s23+$0xCE00] =	vst v8;
	v8 =	vld.idx.msk [tilespmem:v10+s20+$0x0], $0xffff;
	s31 =	sadd.s32 $0x220, s13;
	v10 =	vadd.s32 s0, v0;
	s0 =	sor.u32 s6, s7  }
0xa6: {  	v12 =	vadd.s32 s24, v0;
	v2 =	vld.idx.msk [tilespmem:v2+s20+$0x0], $0xffff;
	s24 =	sshll.u32 s11, $0x7;
	[dreg:$0x18] =	wrdreg s0;
	s0 =	sor.u32 s8, s31  }
0xa7: {  	v1 =	vld.idx.msk [tilespmem:v1+s20+$0x0], $0xffff;
	v13 =	vadd.s32 s18, v0;
	v3 =	vadd.s32 s15, v0;
	s15 =	sor.u32 s5, s7;
	s18 =	sor.u32 s19, s31;
	[dreg:$0x1a] =	wrdreg s0  }
0xa8: {  	v9 =	vld.idx.msk [tilespmem:v9+s20+$0x0], $0xffff;
	s1 =	sshll.u32 s9, $0x7;
	s0 =	sor.u32 s11, s31;
	[dreg:$0x10] =	wrdreg s18  }
0xa9: {  	s18 =	sor.u32 s9, s7;
	s7 =	sor.u32 s5, s31;
	[dreg:$0x14] =	wrdreg s0  }
0xaa: {  	s13 =	sadd.s32 $0x330, s13;
	v6 =	vld.idx.msk [tilespmem:v6+s20+$0x0], $0xffff;
	s20 =	sshll.u32 s5, $0x7;
	[tilespmem:s14+$0xD600] =	vst v11;
	[dreg:$0x12] =	wrdreg s7  }
0xab: {  	v12 =	vld.idx.msk [tilespmem:v12+s2+$0x0], $0xffff;
	s14 =	sor.u32 s4, s31;
	v11 =	vadd.s32 s16, v0;
	[tilespmem:s26+$0xD600] =	vst v2;
	s16 =	sor.u32 s9, s31;
	s26 =	sor.u32 s6, s31  }
0xac: {  	[tilespmem:s30+$0xD600] =	vst v1;
	v7 =	vld.idx.msk [tilespmem:v7+s2+$0x0], $0xffff;
	s7 =	sor.u32 s3, s31;
	s31 =	sor.u32 s11, s13;
	s11 =	rddreg [dreg:$0x8]  }
0xad: {  	s8 =	sor.u32 s8, s13;
	v2 =	vadd.s32 s21, v0;
	s0 =	sand.u32 $0x70, s25;
	[dreg:$0xc] =	wrdreg s14;
	v3 =	vld.idx.msk [tilespmem:v3+s2+$0x0], $0xffff;
	[tilespmem:s29+$0xD600] =	vst v9  }
0xae: {  	s21 =	sor.u32 s5, s13;
	s5 =	sor.u32 s4, s13;
	[dreg:$0xa] =	wrdreg s16;
	v9 =	vadd.s32 s10, v0;
	v5 =	vld.idx.msk [tilespmem:v5+s2+$0x0], $0xffff;
	[tilespmem:s12+$0xD600] =	vst v4  }
0xaf: {  	s9 =	sor.u32 s9, s13;
	[dreg:$0x13] =	wrdreg s26;
	s16 =	sor.u32 s0, s1;
	v4 =	vadd.s32 s28, v0;
	v10 =	vld.idx.msk [tilespmem:v10+s2+$0x0], $0xffff;
	[tilespmem:s17+$0xCE00] =	vst v8  }
0xb0: {  	s3 =	sor.u32 s3, s13;
	s10 =	sor.u32 s0, s11;
	v8 =	vld.idx.msk [tilespmem:v13+s2+$0x0], $0xffff;
	s12 =	rddreg [dreg:$0x16];
	[tilespmem:s16+$0xBE00] =	vst v6;
	v6 =	vadd.s32 s15, v0  }
0xb1: {  	s14 =	sshll.u32 s4, $0x7;
	s1 =	sor.u32 s0, s22;
	s15 =	rddreg [dreg:$0xe];
	[tilespmem:s10+$0xBE00] =	vst v12;
	v12 =	vadd.s32 s12, v0;
	v11 =	vld.idx.msk [tilespmem:v11+s2+$0x0], $0xffff  }
0xb2: {  	s4 =	sor.u32 s19, s13;
	s30 =	sor.u32 s0, s24;
	s24 =	rddreg [dreg:$0x5];
	[tilespmem:s1+$0xBE00] =	vst v7;
	v7 =	vadd.s32 s15, v0;
	v2 =	vld.idx.msk [tilespmem:v2+s2+$0x0], $0xffff  }
0xb3: {  	v1 =	vadd.s32 s31, v0;
	s26 =	sor.u32 s0, s20;
	s20 =	simm.s32 $0x9C00;
	s31 =	rddreg [dreg:$0x6];
	v9 =	vld.idx.msk [tilespmem:v9+s2+$0x0], $0xffff;
	[tilespmem:s30+$0xBE00] =	vst v3;
	v3 =	vadd.s32 s24, v0  }
0xb4: {  	s29 =	sor.u32 s0, s14;
	s28 =	sshll.u32 s19, $0x7;
	s12 =	rddreg [dreg:$0x18];
	v4 =	vld.idx.msk [tilespmem:v4+s20+$0x0], $0xffff;
	[tilespmem:s26+$0xBE00] =	vst v5;
	v5 =	vadd.s32 s31, v0  }
0xb5: {  	s22 =	sor.u32 s6, s13;
	s13 =	rddreg [dreg:$0x1a];
	s14 =	sor.u32 s0, s28;
	[tilespmem:s29+$0xBE00] =	vst v10;
	v10 =	vadd.s32 s12, v0;
	v6 =	vld.idx.msk [tilespmem:v6+s20+$0x0], $0xffff  }
0xb6: {  	v13 =	vadd.s32 s13, v0;
	s2 =	smov.u32 s9;
	s9 =	sshll.u32 s6, $0x7;
	[tilespmem:s14+$0xBE00] =	vst v8;
	v14 =	vld.idx.msk [tilespmem:v12+s20+$0x0], $0xffff  }
0xb7: {  	s15 =	rddreg [dreg:$0x14];
	s12 =	sor.u32 s0, s9;
	v8 =	vadd.s32 s18, v0;
	v15 =	vld.idx.msk [tilespmem:v7+s20+$0x0], $0xffff;
	[tilespmem:s10+$0xC600] =	vst v2  }
0xb8: {  	v16 =	vadd.s32 s15, v0;
	s18 =	rddreg [dreg:$0x10];
	[tilespmem:s12+$0xBE00] =	vst v11;
	v17 =	vld.idx.msk [tilespmem:v3+s20+$0x0], $0xffff  }
0xb9: {  	p0 =	slt.u32 s25, $0x78;
	v18 =	vadd.s32 s18, v0;
	[tilespmem:s1+$0xC600] =	vst v9;
	v7 =	vld.idx.msk [tilespmem:v5+s20+$0x0], $0xffff  }
.Ltmp1:
0xba: {  	s19 =	rddreg [dreg:$0x12];
	[tilespmem:s30+$0xC600] =	vst v4;
	v2 =	vld.idx.msk [tilespmem:v10+s20+$0x0], $0xffff;
	(pc) =	sbr.rel @p0 .LBB2_5-.Ltmp1, $4  }
0xbb: {  	s28 =	rddreg [dreg:$0x13];
	v3 =	vld.idx.msk [tilespmem:v13+s20+$0x0], $0xffff;
	[tilespmem:s26+$0xC600] =	vst v6  }
0xbc: {  	s24 =	rddreg [dreg:$0xc];
	v11 =	vadd.s32 s19, v0;
	v4 =	vld.idx.msk [tilespmem:v8+s20+$0x0], $0xffff;
	[tilespmem:s29+$0xC600] =	vst v14  }
0xbd: {  	s31 =	rddreg [dreg:$0xa];
	v12 =	vadd.s32 s24, v0;
	v9 =	vadd.s32 s28, v0;
	v5 =	vld.idx.msk [tilespmem:v16+s20+$0x0], $0xffff;
	[tilespmem:s14+$0xC600] =	vst v15  }
0xbe: {  	s11 =	smov.u32 s3;
	v10 =	vadd.s32 s8, v0;
	v8 =	vadd.s32 s31, v0;
	v6 =	vld.idx.msk [tilespmem:v18+s20+$0x0], $0xffff;
	[tilespmem:s17+$0xD600] =	vst v17;
	s17 =	smov.u32 s10  }
0xbf: {  	_ =	sdelay $0x2  }
0xc0: {  	[tilespmem:s23+$0xD600] =	vst v7  }
0xc1: {  	v7 =	vld.idx.msk [tilespmem:v11+s20+$0x0], $0xffff;
	[tilespmem:s12+$0xC600] =	vst v2  }
0xc2: {  	v2 =	vadd.s32 s7, v0;
	v59 =	vld.idx.msk [tilespmem:v12+s20+$0x0], $0xffff;
	[tilespmem:s1+$0xCE00] =	vst v3  }
0xc3: {  	v3 =	vadd.s32 s4, v0;
	v9 =	vld.idx.msk [tilespmem:v9+s20+$0x0], $0xffff;
	[tilespmem:s16+$0xC600] =	vst v4  }
0xc4: {  	v4 =	vadd.s32 s21, v0;
	v10 =	vld.idx.msk [tilespmem:v10+s20+$0x0], $0xffff;
	[tilespmem:s30+$0xCE00] =	vst v5  }
0xc5: {  	v5 =	vadd.s32 s5, v0;
	v8 =	vld.idx.msk [tilespmem:v8+s20+$0x0], $0xffff;
	[tilespmem:s14+$0xCE00] =	vst v6  }
0xc6: {  	v6 =	vadd.s32 s22, v0;
	v1 =	vld.idx.msk [tilespmem:v1+s20+$0x0], $0xffff;
	[tilespmem:s26+$0xCE00] =	vst v7  }
0xc7: {  	v2 =	vld.idx.msk [tilespmem:v2+s20+$0x0], $0xffff;
	[tilespmem:s29+$0xCE00] =	vst v59  }
0xc8: {  	v60 =	vadd.s32 s2, v0;
	v3 =	vld.idx.msk [tilespmem:v3+s20+$0x0], $0xffff;
	[tilespmem:s12+$0xCE00] =	vst v9  }
0xc9: {  	v7 =	vadd.s32 s11, v0;
	v4 =	vld.idx.msk [tilespmem:v4+s20+$0x0], $0xffff;
	[tilespmem:s1+$0xD600] =	vst v10  }
0xca: {  	v5 =	vld.idx.msk [tilespmem:v5+s20+$0x0], $0xffff;
	[tilespmem:s16+$0xCE00] =	vst v8  }
0xcb: {  	v6 =	vld.idx.msk [tilespmem:v6+s20+$0x0], $0xffff;
	[tilespmem:s30+$0xD600] =	vst v1  }
0xcc: {  	[tilespmem:s17+$0xCE00] =	vst v2  }
0xcd: {  	v2 =	vld.idx.msk [tilespmem:v60+s20+$0x0], $0xffff;
	[tilespmem:s14+$0xD600] =	vst v3  }
0xce: {  	v1 =	vld.idx.msk [tilespmem:v7+s20+$0x0], $0xffff;
	[tilespmem:s26+$0xD600] =	vst v4  }
0xcf: {  	[tilespmem:s29+$0xD600] =	vst v5  }
0xd0: {  	[tilespmem:s12+$0xD600] =	vst v6  }
0xd1: {  	s25 =	sld [smem:$0x7FC]  }
0xd2: {  	[tilespmem:s16+$0xD600] =	vst v2  }
0xd3: {  	s3 =	rddreg [dreg:$0x1];
	s6 =	simm.s32 $0x3;
	s7 =	simm.s32 $0x2;
	[tilespmem:s17+$0xD600] =	vst v1  }
0xd4: {  	s31 =	rddreg [dreg:$0x1c];
	s0 =	sshll.u32 s25, $0xA;
	p0 =	seq.s32 s25, $0x18  }
0xd5: {  	s26 =	sshll.u32 s25, $0x13;
	s0 =	sshrl.u32 @!p0 s0, $0x2;
	s1 =	simm.s32 @!p0 $0x80  }
0xd6: {  	s2 =	simm.s32 @!p0 $0x1C00;
	[smem:$0x7F9] =	sst s0;
	s0 =	sadd.s32 @!p0 $0x100, s0  }
0xd7: {  	[tilespmem:s2], [sflag:$0x1] =	stream.indirect.gather @!p0 [hbm4b:s3+s1], $0x80, s0, s1, $0xb8;
	[tilespmem:$0xFE00] =	vst v63  }
0xd8: {  	s28 =	simm.s32 $0x5E00;
	s4 =	simm.s32 $0x8000;
	s0 =	sor.u32 s31, s26  }
0xd9: {  	s5 =	simm.s32 $0xBE00;
	s2 =	rddreg [dreg:$0x2];
	s1 =	sshrl.u32 s0, $0x3  }
0xda: {  	s3 =	simm.s32 $0x400;
	[smem:$0x7FA] =	sst s1;
	s0 =	sadd.s32 s2, s1  }
0xdb: {  	[hbm4b:s0+s3] =	stream.strided.scatter [tilespmem:s5], [sflag:$0x3], $0x2000, s4, s3, $0x38;
	[tilespmem:$0xFE00] =	vst v63  }
0xdc: {  	s8 =	simm.s32 $0x0;
	s9 =	simm.s32 $0x1;
	_ =	swait.ge [sflag:s6], $0x2000  }
0xdd: {  	s15 =	simm.s32 $0xFFFFFFF7;
	s18 =	simm.s32 $0x4;
	[sflag:s6] =	ssyncset.done $0x0  }
0xde: {  	s24 =	sand.u32 $0xF, s15;
	s22 =	sand.u32 $0xC, s18;
	[sflag:s6] =	ssyncadd.s32 $0xFFFFE000  }
0xdf: {  	s23 =	smul.u32 $0x44, s22;
	s12 =	simm.s32 $0x6;
	_ =	swait.ge [sflag:s7], $0x4000  }
0xe0: {  	s14 =	simm.s32 $0x2;
	s13 =	sand.u32 $0xE, s12;
	[sflag:s7] =	ssyncset.done $0x0  }
0xe1: {  	s1 =	sand.u32 $0x9, s9;
	s0 =	smul.u32 $0x1100, s8;
	[sflag:s7] =	ssyncadd.s32 $0xFFFFC000  }
0xe2: {  	s1 =	smul.u32 $0x44, s1;
	s3 =	sand.u32 $0xA, s14;
	s8 =	simm.s32 $0x3;
	v1 =	vld [tilespmem:s28+$0xFFFFFE80]  }
0xe3: {  	s3 =	smul.u32 $0x44, s3;
	s8 =	sand.u32 $0xB, s8;
	s6 =	simm.s32 $0x5;
	v3 =	vld [tilespmem:s28+$0x180]  }
0xe4: {  	s0 =	sshra.s32 s0, $0x2;
	s19 =	smul.u32 $0x44, s8;
	s6 =	sand.u32 $0xD, s6;
	v5 =	vld [tilespmem:s28+$0x80]  }
0xe5: {  	s11 =	sshrl.u32 s1, $0x2;
	s10 =	sadd.s32 $0x9C00, s0;
	s6 =	smul.u32 $0x44, s6;
	v6 =	vld [tilespmem:s28+$0x100]  }
0xe6: {  	s1 =	simm.s32 $0x0;
	s0 =	smul.u32 $0x44, s13;
	s26 =	sadd.s32 s11, s10;
	v7 =	vld [tilespmem:s28+$0xFFFFFF80]  }
0xe7: {  	s17 =	sand.u32 $0x8, s1;
	s3 =	sshrl.u32 s3, $0x2;
	s21 =	sshrl.u32 s6, $0x2;
	[tilespmem:s26+$0x0] =	vst v1;
	v1 =	vld [tilespmem:s28+$0xFFFFFE00]  }
0xe8: {  	s5 =	smul.u32 $0x44, s17;
	s0 =	sshrl.u32 s0, $0x2;
	v8 =	vld [tilespmem:s28+$0x0];
	s12 =	sadd.s32 s21, s10  }
0xe9: {  	s29 =	sadd.s32 s3, s10;
	s3 =	sshrl.u32 s19, $0x2;
	s16 =	sadd.s32 s0, s10;
	v2 =	vld [tilespmem:s28+$0xFFFFFF00];
	[tilespmem:s12+$0x0] =	vst v5  }
0xea: {  	s4 =	smul.u32 $0x44, s24;
	s5 =	sshrl.u32 s5, $0x2;
	s7 =	sadd.s32 s3, s10;
	[tilespmem:s16+$0x0] =	vst v6;
	v4 =	vld [tilespmem:s28+$0xFFFFFE90]  }
0xeb: {  	s25 =	sshrl.u32 s23, $0x2;
	s14 =	sadd.s32 s5, s10;
	[tilespmem:s7+$0x0] =	vst v7;
	v62 =	vld [tilespmem:s28+$0x90]  }
0xec: {  	s31 =	sshrl.u32 s4, $0x2;
	s0 =	sadd.s32 s25, s10;
	v63 =	vld [tilespmem:s28+$0x110];
	[tilespmem:s14+$0x0] =	vst v1  }
0xed: {  	s15 =	sadd.s32 s31, s10;
	[tilespmem:s0+$0x0] =	vst v8;
	v61 =	vld [tilespmem:s28+$0xFFFFFE10]  }
0xee: {  	[tilespmem:s15+$0x0] =	vst v3;
	v7 =	vld [tilespmem:s28+$0x10]  }
0xef: {  	[tilespmem:s26+$0x110] =	vst v4;
	v4 =	vld [tilespmem:s28+$0xFFFFFF90]  }
0xf0: {  	[tilespmem:s29+$0x0] =	vst v2;
	v6 =	vld [tilespmem:s28+$0x190]  }
0xf1: {  	v1 =	vld [tilespmem:s28+$0xFFFFFF10]  }
0xf2: {  	v2 =	vld [tilespmem:s28+$0xFFFFFEA0];
	[tilespmem:s14+$0x110] =	vst v61  }
0xf3: {  	[tilespmem:s12+$0x110] =	vst v62;
	v5 =	vld [tilespmem:s28+$0xFFFFFE20]  }
0xf4: {  	[tilespmem:s7+$0x110] =	vst v4;
	v4 =	vld [tilespmem:s28+$0xA0]  }
0xf5: {  	s30 =	simm.s32 $0x6200;
	[tilespmem:s16+$0x110] =	vst v63;
	v3 =	vld [tilespmem:s28+$0xFFFFFFA0]  }
.LBB2_7:
0xf6: {  	s2 =	sadd.s32 $0xE, s1  }
0xf7: {  	s3 =	sadd.s32 $0xFFFFFFFF, s1;
	[tilespmem:s0+$0x110] =	vst v7;
	v7 =	vld [tilespmem:s28+$0x120];
	s4 =	smov.u32 s1;
	s1 =	sadd.s32 $0x8, s1  }
0xf8: {  	s5 =	sshrl.u32 s1, $0x4;
	s6 =	sand.u32 $0x8, s1;
	s8 =	sadd.s32 $0xC, s4;
	v8 =	vld [tilespmem:s30+$0x180];
	[tilespmem:s14+$0x220] =	vst v5  }
0xf9: {  	s9 =	sadd.s32 $0x9, s4;
	s2 =	sand.u32 $0xE, s2;
	s10 =	sand.u32 $0xF, s3;
	v5 =	vld [tilespmem:s30+$0xFFFFFF00];
	[tilespmem:s15+$0x110] =	vst v6  }
0xfa: {  	s11 =	sadd.s32 $0xA, s4;
	s9 =	sand.u32 $0x9, s9;
	s3 =	smul.u32 $0x44, s2;
	[tilespmem:s12+$0x220] =	vst v4;
	v4 =	vld [tilespmem:s28+$0x1A0]  }
0xfb: {  	s2 =	smul.u32 $0x44, s6;
	s6 =	sand.u32 $0xA, s11;
	s11 =	sadd.s32 $0xB, s4;
	[tilespmem:s7+$0x220] =	vst v3;
	v3 =	vld [tilespmem:s28+$0x20]  }
0xfc: {  	p1 =	slt.u32 s1, $0x78;
	s5 =	smul.u32 $0x1100, s5;
	s11 =	sand.u32 $0xB, s11;
	v6 =	vld [tilespmem:s28+$0xFFFFFE30];
	[tilespmem:s16+$0x220] =	vst v7  }
0xfd: {  	s8 =	sand.u32 $0xC, s8;
	s9 =	smul.u32 $0x44, s9;
	s13 =	sshrl.u32 s2, $0x2;
	[tilespmem:s29+$0x110] =	vst v1;
	v1 =	vld [tilespmem:s28+$0x130]  }
0xfe: {  	s4 =	sadd.s32 $0xD, s4;
	s2 =	sshra.s32 s5, $0x2;
	s5 =	smul.u32 $0x44, s11;
	[tilespmem:s26+$0x220] =	vst v2;
	v2 =	vld [tilespmem:s28+$0xFFFFFF20]  }
0xff: {  	s8 =	smul.u32 $0x44, s8;
	s2 =	sadd.s32 $0x9C00, s2;
	s9 =	sshrl.u32 s9, $0x2;
	v7 =	vld [tilespmem:s28+$0xFFFFFFB0];
	[tilespmem:s15+$0x220] =	vst v4  }
0x100: {  	s6 =	smul.u32 $0x44, s6;
	s11 =	sadd.s32 s13, s2;
	s5 =	sshrl.u32 s5, $0x2;
	v4 =	vld [tilespmem:s30+$0xFFFFFE80];
	[tilespmem:s0+$0x220] =	vst v3  }
0x101: {  	s4 =	sand.u32 $0xD, s4;
	s8 =	sshrl.u32 s8, $0x2;
	s9 =	sadd.s32 s9, s2;
	[tilespmem:s14+$0x330] =	vst v6;
	v3 =	vld [tilespmem:s28+$0xB0]  }
0x102: {  	s4 =	smul.u32 $0x44, s4;
	s6 =	sshrl.u32 s6, $0x2;
	s8 =	sadd.s32 s8, s2;
	[tilespmem:s16+$0x330] =	vst v1;
	v1 =	vld [tilespmem:s28+$0x1B0]  }
0x103: {  	s10 =	smul.u32 $0x44, s10;
	s6 =	sadd.s32 s6, s2;
	s14 =	smov.u32 s11;
	[tilespmem:s29+$0x220] =	vst v2;
	v2 =	vld [tilespmem:s28+$0x30]  }
0x104: {  	s4 =	sshrl.u32 s4, $0x2;
	[tilespmem:s6+$0x0] =	vst v5;
	v5 =	vld [tilespmem:s28+$0xFFFFFEB0]  }
0x105: {  	s3 =	sshrl.u32 s3, $0x2;
	s10 =	sshrl.u32 s10, $0x2;
	s5 =	sadd.s32 s5, s2;
	[tilespmem:s9+$0x0] =	vst v4;
	v4 =	vld [tilespmem:s28+$0xFFFFFF30]  }
0x106: {  	s16 =	sadd.s32 s3, s2;
	s3 =	sadd.s32 s10, s2;
	v6 =	vld [tilespmem:s30+$0xFFFFFE90];
	[tilespmem:s7+$0x330] =	vst v7;
	s7 =	smov.u32 s5  }
0x107: {  	s28 =	smov.u32 s30;
	v7 =	vld [tilespmem:s30+$0xFFFFFE00];
	[tilespmem:s15+$0x330] =	vst v1;
	s15 =	smov.u32 s3  }
0x108: {  	v9 =	vld [tilespmem:s30+$0x80];
	[tilespmem:s12+$0x330] =	vst v3  }
0x109: {  	v3 =	vld [tilespmem:s30+$0x100];
	[tilespmem:s26+$0x330] =	vst v5;
	s26 =	smov.u32 s9  }
0x10a: {  	v5 =	vld [tilespmem:s30+$0xFFFFFF80];
	[tilespmem:s29+$0x330] =	vst v4;
	s29 =	smov.u32 s6  }
0x10b: {  	v4 =	vld [tilespmem:s30+$0x0];
	[tilespmem:s0+$0x330] =	vst v2;
	s0 =	smov.u32 s8  }
0x10c: {  	s12 =	sadd.s32 s4, s2;
	[tilespmem:s14+$0x0] =	vst v7;
	v1 =	vld [tilespmem:s30+$0xFFFFFF10]  }
0x10d: {  	v7 =	vld [tilespmem:s30+$0xFFFFFE10];
	[tilespmem:s12+$0x0] =	vst v9  }
0x10e: {  	v9 =	vld [tilespmem:s30+$0x90];
	[tilespmem:s16+$0x0] =	vst v3  }
0x10f: {  	[tilespmem:s7+$0x0] =	vst v5;
	v10 =	vld [tilespmem:s30+$0x110]  }
0x110: {  	[tilespmem:s26+$0x110] =	vst v6;
	v3 =	vld [tilespmem:s30+$0xFFFFFF90]  }
0x111: {  	v2 =	vld [tilespmem:s30+$0xFFFFFEA0];
	[tilespmem:s0+$0x0] =	vst v4  }
.Ltmp2:
0x112: {  	[tilespmem:s14+$0x110] =	vst v7;
	v7 =	vld [tilespmem:s30+$0x10];
	(pc) =	sbr.rel @p1 .LBB2_7-.Ltmp2, $4  }
0x113: {  	v5 =	vld [tilespmem:s30+$0xFFFFFE20];
	[tilespmem:s15+$0x0] =	vst v8  }
0x114: {  	[tilespmem:s12+$0x110] =	vst v9;
	v6 =	vld [tilespmem:s30+$0x190]  }
0x115: {  	[tilespmem:s7+$0x110] =	vst v3;
	v4 =	vld [tilespmem:s30+$0xA0]  }
0x116: {  	s30 =	sadd.s32 $0x400, s30;
	v3 =	vld [tilespmem:s28+$0xFFFFFFA0];
	[tilespmem:s16+$0x110] =	vst v10  }
0x117: {  	[tilespmem:s0+$0x110] =	vst v7  }
0x118: {  	[tilespmem:s29+$0x110] =	vst v1  }
0x119: {  	v7 =	vld [tilespmem:s28+$0x120];
	[tilespmem:s26+$0x220] =	vst v2  }
0x11a: {  	[tilespmem:s14+$0x220] =	vst v5;
	v1 =	vld [tilespmem:s28+$0xFFFFFF20]  }
0x11b: {  	[tilespmem:s15+$0x110] =	vst v6;
	v5 =	vld [tilespmem:s28+$0xFFFFFE30]  }
0x11c: {  	[tilespmem:s12+$0x220] =	vst v4;
	v4 =	vld [tilespmem:s28+$0x1A0]  }
0x11d: {  	[tilespmem:s7+$0x220] =	vst v3;
	v3 =	vld [tilespmem:s28+$0x20]  }
0x11e: {  	[tilespmem:s16+$0x220] =	vst v7;
	v2 =	vld [tilespmem:s28+$0xFFFFFFB0]  }
0x11f: {  	v6 =	vld [tilespmem:s28+$0x130];
	[tilespmem:s29+$0x220] =	vst v1  }
0x120: {  	v1 =	vld [tilespmem:s28+$0xFFFFFEB0];
	[tilespmem:s14+$0x330] =	vst v5  }
0x121: {  	s1 =	simm.s32 $0x0;
	v5 =	vld [tilespmem:s28+$0xFFFFFF30];
	[tilespmem:s15+$0x220] =	vst v4  }
0x122: {  	s2 =	simm.s32 $0x0;
	s6 =	smul.u32 $0x440, s1;
	[tilespmem:s0+$0x220] =	vst v3;
	v3 =	vld [tilespmem:s28+$0x1B0]  }
0x123: {  	s14 =	sand.u32 $0x8, s2;
	v4 =	vld [tilespmem:s28+$0xB0];
	[tilespmem:s7+$0x330] =	vst v2  }
0x124: {  	s3 =	sor.u32 s14, s6;
	s4 =	sor.u32 $0x4, s14;
	[tilespmem:s16+$0x330] =	vst v6;
	v6 =	vld [tilespmem:s28+$0x30]  }
0x125: {  	s1 =	sor.u32 $0x2, s14;
	s19 =	sor.u32 s4, s6;
	v2 =	vadd.s32 s3, v0;
	[tilespmem:s26+$0x330] =	vst v1  }
0x126: {  	s17 =	sor.u32 s1, s6;
	s16 =	sor.u32 $0x1, s14;
	[tilespmem:s29+$0x330] =	vst v5;
	v5 =	vadd.s32 s19, v0  }
0x127: {  	s10 =	sor.u32 $0x3, s14;
	s5 =	sor.u32 s16, s6;
	[tilespmem:s15+$0x330] =	vst v3;
	v3 =	vadd.s32 s17, v0  }
0x128: {  	s11 =	sor.u32 $0x6, s14;
	s18 =	sor.u32 s10, s6;
	[tilespmem:s12+$0x330] =	vst v4;
	v1 =	vadd.s32 s5, v0  }
0x129: {  	s22 =	sor.u32 s11, s6;
	s3 =	sor.u32 $0x5, s14;
	v4 =	vadd.s32 s18, v0;
	[tilespmem:s0+$0x330] =	vst v6  }
0x12a: {  	v7 =	vadd.s32 s22, v0;
	s21 =	sor.u32 s3, s6;
	s5 =	sor.u32 $0x7, s14;
	v2 =	vld.idx.msk [tilespmem:v2+s20+$0x0], $0xffff  }
0x12b: {  	s9 =	sadd.s32 $0x110, s6;
	s23 =	sor.u32 s5, s6;
	v6 =	vadd.s32 s21, v0;
	v5 =	vld.idx.msk [tilespmem:v5+s20+$0x0], $0xffff  }
0x12c: {  	s24 =	sor.u32 s1, s9;
	v8 =	vadd.s32 s23, v0;
	v3 =	vld.idx.msk [tilespmem:v3+s20+$0x0], $0xffff  }
0x12d: {  	s13 =	sand.u32 $0x70, s2;
	v9 =	vadd.s32 s24, v0;
	s8 =	sor.u32 s16, s9;
	v1 =	vld.idx.msk [tilespmem:v1+s20+$0x0], $0xffff  }
0x12e: {  	s2 =	sadd.s32 $0x220, s6;
	s26 =	sor.u32 s10, s9;
	s29 =	sshll.u32 s14, $0x7;
	v10 =	vadd.s32 s8, v0;
	v4 =	vld.idx.msk [tilespmem:v4+s20+$0x0], $0xffff  }
0x12f: {  	s25 =	sshll.u32 s1, $0x7;
	s19 =	sor.u32 s4, s9;
	v11 =	vadd.s32 s26, v0;
	s23 =	sor.u32 s13, s29;
	v7 =	vld.idx.msk [tilespmem:v7+s20+$0x0], $0xffff  }
0x130: {  	s22 =	sshll.u32 s16, $0x7;
	s12 =	sor.u32 s13, s25;
	s21 =	sor.u32 s11, s9;
	v6 =	vld.idx.msk [tilespmem:v6+s20+$0x0], $0xffff;
	[tilespmem:s23+$0xDE00] =	vst v2;
	v2 =	vadd.s32 s19, v0  }
0x131: {  	s24 =	sshll.u32 s10, $0x7;
	s30 =	sor.u32 s3, s9;
	s8 =	sor.u32 s13, s22;
	[tilespmem:s12+$0xDE00] =	vst v3;
	v3 =	vld.idx.msk [tilespmem:v8+s20+$0x0], $0xffff;
	v8 =	vadd.s32 s21, v0  }
0x132: {  	s7 =	sor.u32 s13, s24;
	v12 =	vadd.s32 s30, v0;
	s17 =	sshll.u32 s4, $0x7;
	s18 =	sor.u32 s5, s9;
	[tilespmem:s8+$0xDE00] =	vst v1;
	v1 =	vld.idx.msk [tilespmem:v9+s20+$0x0], $0xffff  }
0x133: {  	s26 =	sshll.u32 s11, $0x7;
	s25 =	sor.u32 s16, s2;
	s0 =	sor.u32 s13, s17;
	[tilespmem:s7+$0xDE00] =	vst v4;
	v4 =	vadd.s32 s18, v0;
	v9 =	vld.idx.msk [tilespmem:v10+s20+$0x0], $0xffff  }
0x134: {  	s30 =	sshll.u32 s3, $0x7;
	s22 =	sor.u32 s13, s26;
	s29 =	sor.u32 s14, s9;
	[tilespmem:s0+$0xDE00] =	vst v5;
	v5 =	vadd.s32 s25, v0;
	v10 =	vld.idx.msk [tilespmem:v11+s20+$0x0], $0xffff  }
0x135: {  	s9 =	sor.u32 s13, s30;
	s19 =	sor.u32 s10, s2;
	[tilespmem:s22+$0xDE00] =	vst v7;
	v7 =	vadd.s32 s29, v0;
	s21 =	sshll.u32 s5, $0x7;
	v2 =	vld.idx.msk [tilespmem:v2+s20+$0x0], $0xffff  }
0x136: {  	s24 =	sor.u32 s11, s2;
	s15 =	sor.u32 s13, s21;
	[tilespmem:s9+$0xDE00] =	vst v6;
	v6 =	vld.idx.msk [tilespmem:v8+s20+$0x0], $0xffff;
	v8 =	vadd.s32 s19, v0  }
0x137: {  	s25 =	sor.u32 s4, s2;
	v11 =	vld.idx.msk [tilespmem:v12+s20+$0x0], $0xffff;
	[tilespmem:s15+$0xDE00] =	vst v3;
	v3 =	vadd.s32 s24, v0  }
0x138: {  	s26 =	sor.u32 s3, s2;
	[tilespmem:s8+$0xE600] =	vst v9;
	v9 =	vadd.s32 s25, v0;
	v4 =	vld.idx.msk [tilespmem:v4+s20+$0x0], $0xffff  }
0x139: {  	s30 =	sor.u32 s5, s2;
	s29 =	sadd.s32 $0x330, s6;
	[tilespmem:s12+$0xE600] =	vst v1;
	v1 =	vld.idx.msk [tilespmem:v5+s20+$0x0], $0xffff;
	v5 =	vadd.s32 s26, v0  }
0x13a: {  	s6 =	sor.u32 s16, s29;
	v7 =	vld.idx.msk [tilespmem:v7+s20+$0x0], $0xffff;
	[tilespmem:s7+$0xE600] =	vst v10;
	v10 =	vadd.s32 s30, v0  }
0x13b: {  	s17 =	sor.u32 s14, s2;
	v12 =	vadd.s32 s6, v0;
	v8 =	vld.idx.msk [tilespmem:v8+s20+$0x0], $0xffff;
	[tilespmem:s22+$0xE600] =	vst v6  }
0x13c: {  	s18 =	sor.u32 s10, s29;
	[tilespmem:s0+$0xE600] =	vst v2;
	v2 =	vadd.s32 s17, v0;
	v3 =	vld.idx.msk [tilespmem:v3+s20+$0x0], $0xffff  }
0x13d: {  	s19 =	sor.u32 s11, s29;
	[tilespmem:s9+$0xE600] =	vst v11;
	v6 =	vadd.s32 s18, v0;
	v9 =	vld.idx.msk [tilespmem:v9+s20+$0x0], $0xffff  }
0x13e: {  	s4 =	sor.u32 s4, s29;
	v11 =	vadd.s32 s19, v0;
	[tilespmem:s15+$0xE600] =	vst v4;
	v5 =	vld.idx.msk [tilespmem:v5+s20+$0x0], $0xffff  }
0x13f: {  	s28 =	simm.s32 $0x8;
	s3 =	sor.u32 s3, s29;
	s21 =	simm.s32 $0x0;
	[tilespmem:s8+$0xEE00] =	vst v1;
	v1 =	vadd.s32 s4, v0;
	v4 =	vld.idx.msk [tilespmem:v10+s20+$0x0], $0xffff  }
0x140: {  	s2 =	sor.u32 s1, s2;
	s24 =	sor.u32 s5, s29;
	s5 =	smul.u32 $0x440, s21;
	[tilespmem:s23+$0xE600] =	vst v7;
	v10 =	vadd.s32 s3, v0;
	v7 =	vld.idx.msk [tilespmem:v12+s20+$0x0], $0xffff  }
0x141: {  	s16 =	sand.u32 $0x8, s28;
	v2 =	vld.idx.msk [tilespmem:v2+s20+$0x0], $0xffff;
	v12 =	vadd.s32 s2, v0;
	[tilespmem:s7+$0xEE00] =	vst v8  }
0x142: {  	s6 =	sor.u32 $0x2, s16;
	s25 =	sor.u32 s16, s5;
	v8 =	vadd.s32 s24, v0;
	v6 =	vld.idx.msk [tilespmem:v6+s20+$0x0], $0xffff;
	[tilespmem:s22+$0xEE00] =	vst v3  }
0x143: {  	s26 =	sor.u32 s6, s5;
	s3 =	sor.u32 $0x1, s16;
	v3 =	vadd.s32 s25, v0;
	[tilespmem:s0+$0xEE00] =	vst v9;
	v9 =	vld.idx.msk [tilespmem:v11+s20+$0x0], $0xffff  }
0x144: {  	s4 =	sor.u32 $0x3, s16;
	s30 =	sor.u32 s3, s5;
	v11 =	vadd.s32 s26, v0;
	v1 =	vld.idx.msk [tilespmem:v1+s20+$0x0], $0xffff;
	[tilespmem:s9+$0xEE00] =	vst v5  }
0x145: {  	s21 =	sor.u32 $0x5, s16;
	s11 =	sor.u32 s4, s5;
	v5 =	vadd.s32 s30, v0;
	[tilespmem:s15+$0xEE00] =	vst v4;
	v10 =	vld.idx.msk [tilespmem:v10+s20+$0x0], $0xffff  }
0x146: {  	s19 =	sor.u32 $0x4, s16;
	s17 =	sor.u32 s21, s5;
	v4 =	vadd.s32 s11, v0;
	[tilespmem:s23+$0xEE00] =	vst v2;
	v2 =	vld.idx.msk [tilespmem:v12+s20+$0x0], $0xffff  }
0x147: {  	s13 =	sor.u32 s19, s5;
	[tilespmem:s8+$0xF600] =	vst v7;
	s8 =	sor.u32 $0x6, s16;
	v12 =	vadd.s32 s17, v0;
	v7 =	vld.idx.msk [tilespmem:v8+s20+$0x0], $0xffff  }
0x148: {  	s10 =	sor.u32 $0x7, s16;
	s18 =	sor.u32 s8, s5;
	v8 =	vadd.s32 s13, v0;
	v3 =	vld.idx.msk [tilespmem:v3+s20+$0x0], $0xffff;
	[tilespmem:s7+$0xF600] =	vst v6  }
0x149: {  	s2 =	sadd.s32 $0x110, s5;
	s24 =	sor.u32 s10, s5;
	v6 =	vld.idx.msk [tilespmem:v11+s20+$0x0], $0xffff;
	v11 =	vadd.s32 s18, v0;
	[tilespmem:s22+$0xF600] =	vst v9  }
0x14a: {  	s25 =	sor.u32 s6, s2;
	v5 =	vld.idx.msk [tilespmem:v5+s20+$0x0], $0xffff;
	v9 =	vadd.s32 s24, v0;
	[tilespmem:s0+$0xF600] =	vst v1  }
0x14b: {  	s26 =	sor.u32 s3, s2;
	s30 =	sor.u32 s4, s2;
	v1 =	vadd.s32 s25, v0;
	v4 =	vld.idx.msk [tilespmem:v4+s20+$0x0], $0xffff;
	[tilespmem:s9+$0xF600] =	vst v10  }
0x14c: {  	s13 =	sand.u32 $0x70, s28;
	s7 =	sor.u32 s14, s29;
	s14 =	sshll.u32 s16, $0x7;
	v10 =	vadd.s32 s26, v0;
	v12 =	vld.idx.msk [tilespmem:v12+s20+$0x0], $0xffff;
	[tilespmem:s12+$0xEE00] =	vst v2  }
0x14d: {  	s18 =	sshll.u32 s6, $0x7;
	s14 =	sor.u32 s13, s14;
	v8 =	vld.idx.msk [tilespmem:v8+s20+$0x0], $0xffff;
	[tilespmem:s15+$0xF600] =	vst v7;
	s15 =	sor.u32 s1, s29;
	v7 =	vadd.s32 s30, v0  }
0x14e: {  	s22 =	sor.u32 s19, s2;
	s24 =	sshll.u32 s3, $0x7;
	s17 =	sor.u32 s13, s18;
	[tilespmem:s14+$0xDE00] =	vst v3;
	v3 =	vadd.s32 s15, v0;
	v2 =	vld.idx.msk [tilespmem:v11+s20+$0x0], $0xffff  }
0x14f: {  	s25 =	sor.u32 s21, s2;
	s26 =	sshll.u32 s4, $0x7;
	s0 =	sor.u32 s13, s24;
	v11 =	vadd.s32 s22, v0;
	[tilespmem:s17+$0xDE00] =	vst v6;
	v6 =	vld.idx.msk [tilespmem:v9+s20+$0x0], $0xffff  }
0x150: {  	s29 =	sor.u32 s8, s2;
	s1 =	sor.u32 s13, s26;
	v9 =	vadd.s32 s25, v0;
	[tilespmem:s0+$0xDE00] =	vst v5;
	s22 =	sshll.u32 s21, $0x7;
	v1 =	vld.idx.msk [tilespmem:v1+s20+$0x0], $0xffff  }
0x151: {  	s18 =	sadd.s32 $0x220, s5;
	s30 =	sshll.u32 s19, $0x7;
	v5 =	vadd.s32 s29, v0;
	[tilespmem:s1+$0xDE00] =	vst v4;
	v10 =	vld.idx.msk [tilespmem:v10+s20+$0x0], $0xffff;
	s31 =	sor.u32 s13, s22  }
0x152: {  	s24 =	sor.u32 s10, s2;
	s26 =	sor.u32 s13, s30;
	s25 =	sshll.u32 s8, $0x7;
	[tilespmem:s31+$0xDE00] =	vst v12;
	v4 =	vld.idx.msk [tilespmem:v7+s20+$0x0], $0xffff;
	v7 =	vadd.s32 s7, v0  }
0x153: {  	s30 =	sshll.u32 s10, $0x7;
	s29 =	sor.u32 s3, s18;
	[tilespmem:s26+$0xDE00] =	vst v8;
	s7 =	sor.u32 s13, s25;
	v8 =	vadd.s32 s24, v0;
	v3 =	vld.idx.msk [tilespmem:v3+s20+$0x0], $0xffff  }
0x154: {  	s2 =	sor.u32 s16, s2;
	s15 =	sor.u32 s13, s30;
	v12 =	vadd.s32 s29, v0;
	v13 =	vld.idx.msk [tilespmem:v11+s20+$0x0], $0xffff;
	[tilespmem:s7+$0xDE00] =	vst v2  }
0x155: {  	s11 =	sor.u32 s4, s18;
	v14 =	vld.idx.msk [tilespmem:v9+s20+$0x0], $0xffff;
	v9 =	vadd.s32 s2, v0;
	[tilespmem:s15+$0xDE00] =	vst v6  }
0x156: {  	s13 =	sor.u32 s8, s18;
	v6 =	vld.idx.msk [tilespmem:v5+s20+$0x0], $0xffff;
	[tilespmem:s17+$0xE600] =	vst v1;
	v5 =	vadd.s32 s11, v0  }
0x157: {  	s5 =	sadd.s32 $0x330, s5;
	v15 =	vadd.s32 s13, v0;
	[tilespmem:s0+$0xE600] =	vst v10;
	v7 =	vld.idx.msk [tilespmem:v7+s20+$0x0], $0xffff  }
0x158: {  	s4 =	sor.u32 s4, s5;
	v2 =	vld.idx.msk [tilespmem:v8+s20+$0x0], $0xffff;
	[tilespmem:s1+$0xE600] =	vst v4  }
0x159: {  	s9 =	sor.u32 s6, s18;
	s30 =	sor.u32 s3, s5;
	s22 =	sor.u32 s19, s18;
	[tilespmem:s12+$0xF600] =	vst v3;
	v3 =	vld.idx.msk [tilespmem:v12+s20+$0x0], $0xffff  }
0x15a: {  	s3 =	sor.u32 s10, s5;
	s29 =	sor.u32 s10, s18;
	s24 =	sor.u32 s21, s18;
	v11 =	vadd.s32 s22, v0;
	v1 =	vadd.s32 s4, v0;
	[tilespmem:s26+$0xE600] =	vst v13;
	v4 =	vld.idx.msk [tilespmem:v9+s20+$0x0], $0xffff  }
0x15b: {  	s25 =	sor.u32 s16, s18;
	s8 =	sor.u32 s8, s5;
	s22 =	sor.u32 s21, s5;
	v10 =	vadd.s32 s30, v0;
	v12 =	vadd.s32 s24, v0;
	v5 =	vld.idx.msk [tilespmem:v5+s20+$0x0], $0xffff;
	[tilespmem:s7+$0xE600] =	vst v6  }
0x15c: {  	s4 =	sor.u32 s19, s5;
	s11 =	sor.u32 s16, s5;
	s19 =	sor.u32 s6, s5;
	v8 =	vadd.s32 s25, v0;
	v9 =	vadd.s32 s29, v0;
	[tilespmem:s31+$0xE600] =	vst v14;
	v6 =	vld.idx.msk [tilespmem:v15+s20+$0x0], $0xffff  }
.LBB2_9:
0x15d: {  	_ = 	snop  }
0x15e: {  	[dreg:$0x7] =	wrdreg s11;
	s28 =	sadd.s32 $0x8, s28;
	[tilespmem:s23+$0xF600] =	vst v7  }
0x15f: {  	[dreg:$0x4] =	wrdreg s19;
	v11 =	vld.idx.msk [tilespmem:v11+s20+$0x0], $0xffff;
	s16 =	smov.u32 s14;
	s5 =	sand.u32 $0x8, s28;
	[tilespmem:s15+$0xE600] =	vst v2  }
0x160: {  	s2 =	sshrl.u32 s28, $0x4;
	s10 =	sor.u32 $0x1, s5;
	s19 =	sor.u32 $0x2, s5;
	v7 =	vld.idx.msk [tilespmem:v12+s20+$0x0], $0xffff;
	v12 =	vadd.s32 s8, v0;
	[tilespmem:s0+$0xEE00] =	vst v3  }
0x161: {  	s14 =	smul.u32 $0x440, s2;
	s2 =	sor.u32 $0x3, s5;
	s21 =	sor.u32 $0x6, s5;
	v2 =	vadd.s32 s4, v0;
	[tilespmem:s1+$0xEE00] =	vst v5;
	v3 =	vld.idx.msk [tilespmem:v9+s20+$0x0], $0xffff  }
0x162: {  	s6 =	sor.u32 $0x7, s5;
	s29 =	sshll.u32 s19, $0x7;
	s8 =	sor.u32 $0x5, s5;
	[tilespmem:s16+$0xE600] =	vst v4;
	v4 =	vld.idx.msk [tilespmem:v10+s20+$0x0], $0xffff;
	v9 =	vadd.s32 s22, v0  }
0x163: {  	[dreg:$0x9] =	wrdreg s29;
	v5 =	vadd.s32 s3, v0;
	s30 =	sor.u32 s5, s14;
	s4 =	sor.u32 s10, s14;
	v1 =	vld.idx.msk [tilespmem:v1+s20+$0x0], $0xffff  }
0x164: {  	s12 =	sor.u32 s2, s14;
	[tilespmem:s7+$0xEE00] =	vst v6;
	s13 =	sor.u32 s19, s14;
	s23 =	sor.u32 s6, s14;
	v10 =	vadd.s32 s9, v0;
	v8 =	vld.idx.msk [tilespmem:v8+s20+$0x0], $0xffff  }
0x165: {  	s3 =	smov.u32 s17;
	s29 =	sshll.u32 s2, $0x7;
	v6 =	vadd.s32 s30, v0;
	s9 =	sadd.s32 $0x110, s14;
	[tilespmem:s26+$0xEE00] =	vst v11;
	v11 =	vld.idx.msk [tilespmem:v12+s20+$0x0], $0xffff  }
0x166: {  	s22 =	sor.u32 $0x4, s5;
	s18 =	sor.u32 s8, s9;
	s24 =	sor.u32 s21, s9;
	v2 =	vld.idx.msk [tilespmem:v2+s20+$0x0], $0xffff;
	[tilespmem:s31+$0xEE00] =	vst v7  }
0x167: {  	s25 =	sor.u32 s22, s14;
	s30 =	sor.u32 s10, s9;
	[dreg:$0x17] =	wrdreg s18;
	v9 =	vld.idx.msk [tilespmem:v9+s20+$0x0], $0xffff;
	[tilespmem:s15+$0xEE00] =	vst v3  }
0x168: {  	s17 =	sor.u32 s2, s9;
	s11 =	sshll.u32 s22, $0x7;
	[dreg:$0xf] =	wrdreg s24;
	[tilespmem:s0+$0xF600] =	vst v4;
	v4 =	vld.idx.msk [tilespmem:v5+s20+$0x0], $0xffff  }
0x169: {  	s24 =	sor.u32 s19, s9;
	s18 =	sor.u32 s21, s14;
	v12 =	vadd.s32 s13, v0;
	s13 =	sor.u32 s8, s14;
	[tilespmem:s16+$0xEE00] =	vst v8;
	v8 =	vld.idx.msk [tilespmem:v10+s20+$0x0], $0xffff  }
0x16a: {  	v7 =	vadd.s32 s4, v0;
	s4 =	sor.u32 s22, s9;
	v10 =	vadd.s32 s13, v0;
	s13 =	sor.u32 s6, s9;
	v6 =	vld.idx.msk [tilespmem:v6+s20+$0x0], $0xffff;
	s20 =	sadd.s32 $0x220, s14  }
0x16b: {  	s0 =	sshll.u32 s5, $0x7;
	[dreg:$0x19] =	wrdreg s13;
	s13 =	sor.u32 s10, s20  }
0x16c: {  	v13 =	vadd.s32 s18, v0;
	v3 =	vadd.s32 s12, v0;
	s12 =	sshll.u32 s10, $0x7;
	s18 =	sor.u32 s21, s20;
	[dreg:$0x1b] =	wrdreg s13  }
0x16d: {  	v5 =	vadd.s32 s25, v0;
	s25 =	simm.s32 $0x9C00;
	s13 =	sor.u32 s2, s20;
	[dreg:$0x11] =	wrdreg s18  }
0x16e: {  	[tilespmem:s7+$0xF600] =	vst v11;
	s18 =	sor.u32 s22, s20;
	v11 =	vadd.s32 s23, v0;
	s23 =	sor.u32 s5, s20;
	s7 =	sshll.u32 s8, $0x7  }
0x16f: {  	[tilespmem:s26+$0xF600] =	vst v2;
	v2 =	vadd.s32 s24, v0;
	s24 =	sor.u32 s6, s20;
	s26 =	sadd.s32 $0x330, s14;
	[dreg:$0x15] =	wrdreg s13  }
0x170: {  	[tilespmem:s1+$0xF600] =	vst v1;
	v12 =	vld.idx.msk [tilespmem:v12+s25+$0x0], $0xffff;
	s13 =	sor.u32 s5, s9;
	s9 =	sor.u32 s8, s20;
	[dreg:$0xb] =	wrdreg s23  }
0x171: {  	v7 =	vld.idx.msk [tilespmem:v7+s25+$0x0], $0xffff;
	[tilespmem:s31+$0xF600] =	vst v9;
	s23 =	sand.u32 $0x70, s28;
	v9 =	vadd.s32 s30, v0;
	s10 =	sor.u32 s10, s26;
	s30 =	sor.u32 s2, s26  }
0x172: {  	v3 =	vld.idx.msk [tilespmem:v3+s25+$0x0], $0xffff;
	[dreg:$0xd] =	wrdreg s9;
	s9 =	sor.u32 s19, s20;
	s20 =	simm.s32 $0x9C00;
	[tilespmem:s15+$0xF600] =	vst v4  }
0x173: {  	s5 =	sor.u32 s5, s26;
	v4 =	vadd.s32 s17, v0;
	s17 =	smov.u32 s3;
	[tilespmem:s3+$0xEE00] =	vst v8;
	s3 =	rddreg [dreg:$0x9];
	v5 =	vld.idx.msk [tilespmem:v5+s20+$0x0], $0xffff  }
0x174: {  	s25 =	sor.u32 s19, s26;
	s14 =	sor.u32 s23, s0;
	s15 =	rddreg [dreg:$0x17];
	v10 =	vld.idx.msk [tilespmem:v10+s20+$0x0], $0xffff  }
0x175: {  	v1 =	vadd.s32 s30, v0;
	s0 =	sor.u32 s23, s12;
	s30 =	rddreg [dreg:$0xf];
	[tilespmem:s14+$0xDE00] =	vst v6;
	s2 =	sor.u32 s23, s3;
	v6 =	vadd.s32 s4, v0;
	v8 =	vld.idx.msk [tilespmem:v13+s20+$0x0], $0xffff  }
0x176: {  	s1 =	sor.u32 s23, s29;
	s19 =	rddreg [dreg:$0x4];
	s31 =	sor.u32 s23, s7;
	[tilespmem:s2+$0xDE00] =	vst v12;
	v12 =	vadd.s32 s15, v0;
	v11 =	vld.idx.msk [tilespmem:v11+s20+$0x0], $0xffff  }
0x177: {  	s4 =	sor.u32 s22, s26;
	s22 =	sor.u32 s8, s26;
	s8 =	sor.u32 s21, s26;
	[tilespmem:s0+$0xDE00] =	vst v7;
	v7 =	vadd.s32 s30, v0;
	v2 =	vld.idx.msk [tilespmem:v2+s20+$0x0], $0xffff  }
0x178: {  	s3 =	sor.u32 s6, s26;
	s26 =	sor.u32 s23, s11;
	s15 =	rddreg [dreg:$0x1b];
	v9 =	vld.idx.msk [tilespmem:v9+s20+$0x0], $0xffff;
	[tilespmem:s1+$0xDE00] =	vst v3;
	v3 =	vadd.s32 s19, v0  }
0x179: {  	s29 =	rddreg [dreg:$0x7];
	s19 =	smov.u32 s25;
	s25 =	sshll.u32 s21, $0x7;
	v13 =	vadd.s32 s15, v0;
	v4 =	vld.idx.msk [tilespmem:v4+s20+$0x0], $0xffff;
	[tilespmem:s26+$0xDE00] =	vst v5  }
0x17a: {  	s12 =	rddreg [dreg:$0x19];
	s7 =	sor.u32 s23, s25;
	v5 =	vadd.s32 s29, v0;
	[tilespmem:s31+$0xDE00] =	vst v10;
	v6 =	vld.idx.msk [tilespmem:v6+s20+$0x0], $0xffff  }
0x17b: {  	v10 =	vadd.s32 s12, v0;
	[tilespmem:s7+$0xDE00] =	vst v8;
	v14 =	vld.idx.msk [tilespmem:v12+s20+$0x0], $0xffff  }
0x17c: {  	s30 =	sshll.u32 s6, $0x7;
	s21 =	rddreg [dreg:$0x15];
	v8 =	vadd.s32 s13, v0;
	v15 =	vld.idx.msk [tilespmem:v7+s20+$0x0], $0xffff;
	[tilespmem:s2+$0xE600] =	vst v2  }
0x17d: {  	s15 =	sor.u32 s23, s30;
	v16 =	vadd.s32 s21, v0;
	s25 =	rddreg [dreg:$0x11];
	[tilespmem:s0+$0xE600] =	vst v9;
	v17 =	vld.idx.msk [tilespmem:v3+s20+$0x0], $0xffff  }
0x17e: {  	p1 =	slt.u32 s28, $0x78;
	v18 =	vadd.s32 s25, v0;
	[tilespmem:s15+$0xDE00] =	vst v11;
	v3 =	vld.idx.msk [tilespmem:v13+s20+$0x0], $0xffff  }
.Ltmp3:
0x17f: {  	[tilespmem:s1+$0xE600] =	vst v4;
	v7 =	vld.idx.msk [tilespmem:v5+s20+$0x0], $0xffff;
	(pc) =	sbr.rel @p1 .LBB2_9-.Ltmp3, $4  }
0x180: {  	v2 =	vld.idx.msk [tilespmem:v10+s20+$0x0], $0xffff;
	[tilespmem:s26+$0xE600] =	vst v6  }
0x181: {  	s29 =	rddreg [dreg:$0xd];
	v11 =	vadd.s32 s18, v0;
	v4 =	vld.idx.msk [tilespmem:v8+s20+$0x0], $0xffff;
	[tilespmem:s31+$0xE600] =	vst v14  }
0x182: {  	s30 =	rddreg [dreg:$0xb];
	v12 =	vadd.s32 s29, v0;
	v9 =	vadd.s32 s24, v0;
	v5 =	vld.idx.msk [tilespmem:v16+s20+$0x0], $0xffff;
	[tilespmem:s7+$0xE600] =	vst v15  }
0x183: {  	s11 =	smov.u32 s5;
	s23 =	smov.u32 s16;
	v10 =	vadd.s32 s10, v0;
	v8 =	vadd.s32 s30, v0;
	v6 =	vld.idx.msk [tilespmem:v18+s20+$0x0], $0xffff;
	[tilespmem:s17+$0xF600] =	vst v17;
	s17 =	smov.u32 s2  }
0x184: {  	_ =	sdelay $0x2  }
0x185: {  	[tilespmem:s23+$0xF600] =	vst v7  }
0x186: {  	v57 =	vld.idx.msk [tilespmem:v11+s20+$0x0], $0xffff;
	[tilespmem:s0+$0xEE00] =	vst v3  }
0x187: {  	v58 =	vld.idx.msk [tilespmem:v12+s20+$0x0], $0xffff;
	[tilespmem:s15+$0xE600] =	vst v2;
	v2 =	vadd.s32 s9, v0  }
0x188: {  	v3 =	vadd.s32 s8, v0;
	v10 =	vld.idx.msk [tilespmem:v10+s20+$0x0], $0xffff;
	[tilespmem:s14+$0xE600] =	vst v4  }
0x189: {  	v59 =	vadd.s32 s4, v0;
	v9 =	vld.idx.msk [tilespmem:v9+s20+$0x0], $0xffff;
	[tilespmem:s1+$0xEE00] =	vst v5  }
0x18a: {  	v60 =	vadd.s32 s22, v0;
	v8 =	vld.idx.msk [tilespmem:v8+s20+$0x0], $0xffff;
	[tilespmem:s7+$0xEE00] =	vst v6  }
0x18b: {  	v61 =	vadd.s32 s3, v0;
	v1 =	vld.idx.msk [tilespmem:v1+s20+$0x0], $0xffff;
	[tilespmem:s26+$0xEE00] =	vst v57  }
0x18c: {  	v63 =	vadd.s32 s11, v0;
	[tilespmem:s31+$0xEE00] =	vst v58;
	v2 =	vld.idx.msk [tilespmem:v2+s20+$0x0], $0xffff  }
0x18d: {  	v62 =	vadd.s32 s19, v0;
	v3 =	vld.idx.msk [tilespmem:v3+s20+$0x0], $0xffff;
	[tilespmem:s0+$0xF600] =	vst v10  }
0x18e: {  	v4 =	vld.idx.msk [tilespmem:v59+s20+$0x0], $0xffff;
	[tilespmem:s15+$0xEE00] =	vst v9  }
0x18f: {  	v5 =	vld.idx.msk [tilespmem:v60+s20+$0x0], $0xffff;
	[tilespmem:s14+$0xEE00] =	vst v8  }
0x190: {  	v6 =	vld.idx.msk [tilespmem:v61+s20+$0x0], $0xffff;
	[tilespmem:s1+$0xF600] =	vst v1  }
0x191: {  	[tilespmem:s17+$0xEE00] =	vst v2;
	v2 =	vld.idx.msk [tilespmem:v63+s20+$0x0], $0xffff  }
0x192: {  	[tilespmem:s7+$0xF600] =	vst v3;
	v1 =	vld.idx.msk [tilespmem:v62+s20+$0x0], $0xffff  }
0x193: {  	[tilespmem:s26+$0xF600] =	vst v4  }
0x194: {  	[tilespmem:s31+$0xF600] =	vst v5  }
0x195: {  	[tilespmem:s15+$0xF600] =	vst v6  }
0x196: {  	[tilespmem:s14+$0xF600] =	vst v2  }
0x197: {  	[tilespmem:s17+$0xF600] =	vst v1  }
0x198: {  	s0 =	sld [smem:$0x7F9]  }
0x199: {  	s2 =	simm.s32 @!p0 $0x5C00;
	s3 =	rddreg [dreg:$0x1]  }
0x19a: {  	s28 =	simm.s32 $0x8000;
	s29 =	simm.s32 $0xDE00;
	s25 =	sld [smem:$0x7FA]  }
0x19b: {  	s1 =	simm.s32 @!p0 $0x80;
	s24 =	rddreg [dreg:$0x1f];
	s0 =	sadd.s32 @!p0 $0x180, s0  }
0x19c: {  	[tilespmem:s2], [sflag:$0x2] =	stream.indirect.gather @!p0 [hbm4b:s3+s1], $0x80, s0, s1, $0xb8;
	[tilespmem:$0xFE00] =	vst v63  }
0x19d: {  	s30 =	simm.s32 $0x3;
	s26 =	simm.s32 $0x400;
	s0 =	sadd.s32 s25, s24  }
0x19e: {  	[hbm4b:s0+s26] =	stream.strided.scatter [tilespmem:s29], [sflag:$0x3], $0x2000, s28, s26, $0x38;
	[tilespmem:$0xFE00] =	vst v63  }
0x19f: {  	_ =	swait.ge [sflag:s30], $0x2000  }
0x1a0: {  	s31 =	sld [smem:$0x7FC];
	_ =	sdelay $0x2  }
0x1a1: {  	s1 =	sadd.s32 $0x1, s31  }
0x1a2: {  	p0 =	sne.s32 s1, $0x19  }
.Ltmp4:
0x1a3: {  	_ = 	snop;
	(pc) =	sbr.rel @p0 .LBB2_2-.Ltmp4, $3  }
0x1a4: {  	_ =	sdelay $0x1  }
0x1a5: {  	[sflag:s30] =	ssyncset.done $0x0  }
0x1a6: {  	[sflag:s30] =	ssyncadd.s32 $0xFFFFE000;
	[smem:$0x7FC] =	sst s1  }
0x1a7: {  	s1 =	sld [smem:$0x7FB]  }
0x1a8: {  	s0 =	sld [smem:$0x7FD];
	_ =	sdelay $0x1  }
0x1a9: {  	s1 =	sadd.s32 $0x1, s1  }
0x1aa: {  	p0 =	sne.s32 s1, s0  }
.Ltmp5:
0x1ab: {  	_ = 	snop;
	(pc) =	sbr.rel @p0 .LBB2_1-.Ltmp5, $1  }
0x1ac: {  	_ =	sdelay $0x3  }
0x1ad: {  	_ =	sfence.sel $0x180000  }
0x1ae: {  	[bflag:$0x0] =	sbarrier.arrive $0xFFFF  }
0x1af: {  	_ =	strace $0x90000047  }
0x1b0: {  	s0 =	stileid.u32;
	[bflag:$0x2] =	sbarrier.arrive $0xFFFF  }
0x1b1: {  	p0 =	sne.s32 s0, $0x0;
	s0 =	rddreg [dreg:$0x3]  }
0x1b2: {  	s0 =	sadd.s32 @!p0 $0x100000, s0  }
0x1b3: {  	[sflag:s0] =	ssyncadd.tile.s32 @!p0 $0x1;
	_ =	shalt  }
.Lfunc_end2:
_tile_overlayer_lowered:
.L_overlay_start_2:
0x1b4: {  	(tag) =	ssettag $0x2  }
0x1b5: {  	s0 =	rddreg [dreg:$0x0];
	s2 =	stileid.u32  }
0x1b6: {  	s1 =	rddreg [dreg:$0x1];
	p0 =	sne.s32 s2, $0x0  }
0x1b7: {  	s3 =	rddreg [dreg:$0x2];
	[bflag:$0x3] =	sbarrier.arrive $0xFFFF;
	s2 =	simm.s32 @!p0 $0x1C03  }
0x1b8: {  	[timem:s3], [sflag:s2] =	dma.local @!p0 [hbm:s0], s1  }
0x1b9: {  	s0 =	simm.s32 @!p0 $0x3  }
0x1ba: {  	_ =	swait.ge @!p0 [sflag:s0], s1  }
0x1bb: {  	s1 =	ssub.s32 @!p0 $0x0, s1;
	[sflag:s0] =	ssyncset.done @!p0 $0x0  }
0x1bc: {  	[sflag:s0] =	ssyncadd.s32 @!p0 s1  }
0x1bd: {  	[bflag:$0x3] =	sbarrier.arrive $0xFFFF  }
0x1be: {  	_ =	shalt  }

</sc_bundles>
